<compile_context>
chip_gen: v7x
topology: tpu7x:2x2x1
jax: 0.10.2.dev20260603
libtpu: 0.0.44.dev20260713+nightly
codegen_flags: <defaults>
</compile_context>

<pallas_src>
import functools

import jax
import jax.numpy as jnp
from jax import lax
from jax.experimental import pallas as pl
from jax.experimental.pallas import tpu as pltpu
from jax.experimental.pallas import tpu_sc as plsc

B, N, DIM, K = 4, 2048, 256, 16
PPAD = 128
TBLW = DIM + PPAD

K0_BLK = 2048


def _k0_body(x_ref, p_ref, wk_ref, wv_ref, t_ref):
    xb = x_ref[0]
    kf = jnp.dot(xb, wk_ref[...], preferred_element_type=jnp.float32)
    v = jnp.dot(xb, wv_ref[...], preferred_element_type=jnp.float32)
    kb = lax.bitcast_convert_type(
        kf.astype(jnp.bfloat16).astype(jnp.float32), jnp.uint32) >> 16
    vb = lax.bitcast_convert_type(
        v.astype(jnp.bfloat16).astype(jnp.float32), jnp.uint32) & jnp.uint32(0xFFFF0000)
    t_ref[0, :, :DIM] = vb | kb
    t_ref[0, :, DIM:] = lax.bitcast_convert_type(p_ref[0], jnp.uint32)


def _build_tables(x, pos128, Wk, Wv):
    return pl.pallas_call(
        _k0_body,
        grid=(B, N // K0_BLK),
        in_specs=[
            pl.BlockSpec((1, K0_BLK, DIM), lambda b, i: (b, i, 0)),
            pl.BlockSpec((1, K0_BLK, PPAD), lambda b, i: (b, i, 0)),
            pl.BlockSpec((DIM, DIM), lambda b, i: (0, 0)),
            pl.BlockSpec((DIM, DIM), lambda b, i: (0, 0)),
        ],
        out_specs=pl.BlockSpec((1, K0_BLK, TBLW), lambda b, i: (b, i, 0)),
        out_shape=jax.ShapeDtypeStruct((B, N, TBLW), jnp.uint32),
    )(x, pos128, Wk, Wv)


K1_BLK = 256


def _k1_body(posq_ref, posall_ref, idx_ref):
    pq = posq_ref[...]
    pa = posall_ref[...]
    sq_q = jnp.sum(pq * pq, axis=1, keepdims=True)
    sq_a = jnp.sum(pa * pa, axis=1, keepdims=True)
    cross = lax.dot_general(pq, pa, (((1,), (1,)), ((), ())),
                            preferred_element_type=jnp.float32)
    d = sq_q + sq_a.T - 2.0 * cross
    lanes = lax.broadcasted_iota(jnp.int32, (K1_BLK, N), 1)
    big = jnp.int32(N)
    inf = jnp.float32(jnp.inf)
    for k in range(K):
        m = jnp.min(d, axis=1, keepdims=True)
        cand = jnp.where(d <= m, lanes, big)
        a = jnp.min(cand, axis=1, keepdims=True)
        idx_ref[:, pl.ds(k, 1)] = a
        d = jnp.where(lanes == a, inf, d)


def _knn_ids_b(pos_b):
    return pl.pallas_call(
        _k1_body,
        grid=(N // K1_BLK,),
        in_specs=[
            pl.BlockSpec((K1_BLK, PPAD), lambda i: (i, 0)),
            pl.BlockSpec((N, PPAD), lambda i: (0, 0)),
        ],
        out_specs=pl.BlockSpec((K1_BLK, K), lambda i: (i, 0)),
        out_shape=jax.ShapeDtypeStruct((N, K), jnp.int32),
    )(pos_b, pos_b)


_SC_CHUNK = 128


def _sc_gather_b(tbl, idx):
    info = plsc.get_sparse_core_info()
    nw = info.num_cores * info.num_subcores
    total = N * K
    per_w = total // nw
    n_chunks = per_w // _SC_CHUNK
    mesh = plsc.VectorSubcoreMesh(core_axis_name="c", subcore_axis_name="s")

    @functools.partial(
        pl.kernel,
        mesh=mesh,
        out_type=jax.ShapeDtypeStruct((total, TBLW), jnp.uint32),
        scratch_types=[
            pltpu.VMEM((_SC_CHUNK,), jnp.int32),
            pltpu.VMEM((_SC_CHUNK, TBLW), jnp.uint32),
            pltpu.SemaphoreType.DMA,
        ],
    )
    def k(tbl_hbm, idx_hbm, g_hbm, idx_v, rows_v, sem1):
        wid = lax.axis_index("s") * info.num_cores + lax.axis_index("c")

        def body(c, carry):
            base = wid * per_w + c * _SC_CHUNK
            pltpu.sync_copy(idx_hbm.at[pl.ds(base, _SC_CHUNK)], idx_v)
            pltpu.async_copy(tbl_hbm.at[idx_v], rows_v, sem1).wait()
            pltpu.sync_copy(rows_v, g_hbm.at[pl.ds(base, _SC_CHUNK)])
            return carry

        lax.fori_loop(0, n_chunks, body, 0)

    return k(tbl, idx)


K3_BLK = 256


def _k3_body(x_ref, p_ref, g_ref,
             wq_ref, p1_ref, b1_ref, p2_ref, b2_ref,
             a1_ref, ba1_ref, a2_ref, ba2_ref, wf_ref, bf_ref, out_ref):
    bf = jnp.bfloat16
    xb = x_ref[...]
    pq = p_ref[...]
    g = g_ref[...]
    gk = g[:, :DIM]
    kfv = lax.bitcast_convert_type(gk << 16, jnp.float32)
    vv = lax.bitcast_convert_type(gk & jnp.uint32(0xFFFF0000), jnp.float32)
    xyz = lax.bitcast_convert_type(g[:, DIM:], jnp.float32)

    rel = jnp.broadcast_to(pq[:, None, :], (K3_BLK, K, PPAD)).reshape(K3_BLK * K, PPAD) - xyz
    t1 = jax.nn.relu(jnp.dot(rel.astype(bf), p1_ref[...],
                             preferred_element_type=jnp.float32) + b1_ref[...])
    pe = jnp.dot(t1.astype(bf), p2_ref[...],
                 preferred_element_type=jnp.float32) + b2_ref[...]

    q = jnp.dot(xb.astype(bf), wq_ref[...], preferred_element_type=jnp.float32)
    qrep = jnp.broadcast_to(q[:, None, :], (K3_BLK, K, DIM)).reshape(K3_BLK * K, DIM)
    h = qrep - kfv + pe
    t2 = jax.nn.relu(jnp.dot(h.astype(bf), a1_ref[...],
                             preferred_element_type=jnp.float32) + ba1_ref[...])
    al = jnp.dot(t2.astype(bf), a2_ref[...],
                 preferred_element_type=jnp.float32) + ba2_ref[...]

    al3 = al.reshape(K3_BLK, K, DIM) * (1.0 / 16.0)
    m3 = jnp.max(al3, axis=1, keepdims=True)
    e3 = jnp.exp(al3 - m3)
    s3 = jnp.sum(e3, axis=1, keepdims=True)
    w3 = e3 / s3
    vpe3 = (vv + pe).reshape(K3_BLK, K, DIM)
    agg = jnp.sum(w3 * vpe3, axis=1)

    out_ref[...] = (jnp.dot(agg.astype(bf), wf_ref[...],
                            preferred_element_type=jnp.float32)
                    + bf_ref[...] + xb)


def _fused_block_b(x_b, pos_b, G_b, Wq, P1p, p1, P2, p2, A1, a1, A2, a2, Wf, bias_f):
    wspec = lambda shape: pl.BlockSpec(shape, lambda i: (0, 0))
    return pl.pallas_call(
        _k3_body,
        grid=(N // K3_BLK,),
        in_specs=[
            pl.BlockSpec((K3_BLK, DIM), lambda i: (i, 0)),
            pl.BlockSpec((K3_BLK, PPAD), lambda i: (i, 0)),
            pl.BlockSpec((K3_BLK * K, TBLW), lambda i: (i, 0)),
            wspec((DIM, DIM)),
            wspec((PPAD, DIM)),
            wspec((1, DIM)),
            wspec((DIM, DIM)),
            wspec((1, DIM)),
            wspec((DIM, DIM)),
            wspec((1, DIM)),
            wspec((DIM, DIM)),
            wspec((1, DIM)),
            wspec((DIM, DIM)),
            wspec((1, DIM)),
        ],
        out_specs=pl.BlockSpec((K3_BLK, DIM), lambda i: (i, 0)),
        out_shape=jax.ShapeDtypeStruct((N, DIM), jnp.float32),
    )(x_b, pos_b, G_b, Wq, P1p, p1, P2, p2, A1, a1, A2, a2, Wf, bias_f)


def kernel(x, pos, Wq, Wk, Wv, P1, p1, P2, p2, A1, a1, A2, a2, Wf, bf):
    pos128 = jnp.pad(pos, ((0, 0), (0, 0), (0, PPAD - 3)))
    P1p = jnp.pad(P1, ((0, PPAD - 3), (0, 0)))
    w16 = lambda w: w.astype(jnp.bfloat16)
    b2d = lambda v: v.reshape(1, DIM)

    T = _build_tables(x, pos128, Wk, Wv)
    T2 = T.reshape(B * N, TBLW)
    outs = []
    for b in range(B):
        ids = _knn_ids_b(pos128[b])
        G = _sc_gather_b(T2, ids.reshape(N * K) + b * N)
        outs.append(_fused_block_b(
            x[b], pos128[b], G,
            w16(Wq), w16(P1p), b2d(p1), w16(P2), b2d(p2),
            w16(A1), b2d(a1), w16(A2), b2d(a2), w16(Wf), b2d(bf)))
    return jnp.stack(outs)

# --- scband reference (transcript-rebuilt; emitter-appended) ---
"""Pipeline reference for scband-point-transformer-block-62620623176206 (READ-ONLY COPY).

The authoritative reference and input builder live on the scoring server;
editing this copy changes nothing except your own understanding.
"""

import jax, jax.numpy as jnp
import numpy as np

B, N, DIM, K = 4, 2048, 256, 16


def setup_inputs(seed: int = 0) -> dict:
    key = jax.random.key(seed)
    ks = jax.random.split(key, 16)
    x = jax.random.normal(ks[0], (B, N, DIM), dtype=jnp.float32)
    pos = jax.random.uniform(ks[1], (B, N, 3), dtype=jnp.float32)
    s = 1.0 / np.sqrt(DIM)
    s3 = 1.0 / np.sqrt(3.0)
    Wq = jax.random.normal(ks[2], (DIM, DIM), dtype=jnp.float32) * s
    Wk = jax.random.normal(ks[3], (DIM, DIM), dtype=jnp.float32) * s
    Wv = jax.random.normal(ks[4], (DIM, DIM), dtype=jnp.float32) * s
    P1 = jax.random.normal(ks[5], (3, DIM), dtype=jnp.float32) * s3
    p1 = jnp.zeros((DIM,), dtype=jnp.float32)
    P2 = jax.random.normal(ks[6], (DIM, DIM), dtype=jnp.float32) * s
    p2 = jnp.zeros((DIM,), dtype=jnp.float32)
    A1 = jax.random.normal(ks[7], (DIM, DIM), dtype=jnp.float32) * s
    a1 = jnp.zeros((DIM,), dtype=jnp.float32)
    A2 = jax.random.normal(ks[8], (DIM, DIM), dtype=jnp.float32) * s
    a2 = jnp.zeros((DIM,), dtype=jnp.float32)
    Wf = jax.random.normal(ks[9], (DIM, DIM), dtype=jnp.float32) * s
    bf = jnp.zeros((DIM,), dtype=jnp.float32)
    return {"x": x, "pos": pos, "Wq": Wq, "Wk": Wk, "Wv": Wv,
            "P1": P1, "p1": p1, "P2": P2, "p2": p2,
            "A1": A1, "a1": a1, "A2": A2, "a2": a2,
            "Wf": Wf, "bf": bf}


def _gather(feat, idx):
    # feat: [B, N, d], idx: [B, N, K] -> [B, N, K, d]
    b, n, k = idx.shape
    flat = idx.reshape(b, n * k)
    out = jnp.take_along_axis(feat, flat[:, :, None], axis=1)
    return out.reshape(b, n, k, feat.shape[-1])


def reference(x, pos, Wq, Wk, Wv, P1, p1, P2, p2, A1, a1, A2, a2, Wf, bf):
    x_pre = x
    # kNN over pos (self-to-self): pairwise squared distances + top-k smallest
    sq = jnp.sum(pos * pos, axis=-1)
    dist2 = sq[:, :, None] + sq[:, None, :] - 2.0 * jnp.einsum('bnd,bmd->bnm', pos, pos)
    _, knn_idx = jax.lax.top_k(-dist2, K)  # [B, N, K]
    knn_xyz = _gather(pos, knn_idx)        # [B, N, K, 3]
    q = x @ Wq                              # [B, N, D]
    kf = _gather(x @ Wk, knn_idx)           # [B, N, K, D]
    v = _gather(x @ Wv, knn_idx)            # [B, N, K, D]
    rel = pos[:, :, None, :] - knn_xyz      # [B, N, K, 3]
    pos_enc = jax.nn.relu(rel @ P1 + p1) @ P2 + p2
    h = q[:, :, None, :] - kf + pos_enc
    attn = jax.nn.relu(h @ A1 + a1) @ A2 + a2
    attn = jax.nn.softmax(attn / np.sqrt(DIM), axis=-2)
    agg = jnp.einsum('bijd,bijd->bid', attn, v + pos_enc)
    out = agg @ Wf + bf + x_pre
    return out

if __name__ == "__main__":
    import jax
    _d = setup_inputs()
    print(jax.jit(kernel)(*tuple(_d.values())))

</pallas_src>

<mosaic_0001>
#map = affine_map<(d0, d1) -> (0, 0)>
#map1 = affine_map<(d0, d1) -> (0)>
module attributes {stable_mosaic.version = 14 : i64} {
  func.func @k(%arg0: i32, %arg1: i32, %arg2: memref<8192x384xi32, #tpu.memory_space<hbm>>, %arg3: memref<32768xi32, #tpu.memory_space<hbm>>, %arg4: memref<32768x384xi32, #tpu.memory_space<hbm>>, %arg5: memref<128xi32, #tpu.memory_space<vmem>>, %arg6: memref<128x384xi32, #tpu.memory_space<vmem>>, %arg7: memref<!tpu.dma_semaphore, #tpu.memory_space<semaphore_mem>>) attributes {dimension_semantics = [#tpu.dimension_semantics<core_parallel>, #tpu.dimension_semantics<subcore_parallel>], iteration_bounds = array<i64: 2, 16>, scalar_prefetch = 0 : i64, scratch_operands = 3 : i64, tpu.core_type = #tpu.core_type<sc_vector_subcore>, window_params = [{transform_indices = #map}, {transform_indices = #map1}, {transform_indices = #map}]} {
    %mul3A = arith.constant 2 : i32
    %mul3A_0 = arith.muli %arg1, %mul3A : i32
    %add3A = arith.addi %mul3A_0, %arg0 : i32
    %scan3A = arith.constant 0 : i32
    %scan3A_1 = arith.constant 0 : i32
    %scan3A_2 = arith.constant 8 : i32
    %scan3A_3 = arith.addi %scan3A_1, %scan3A_2 : i32
    %scan3A_4 = arith.constant 1 : i32
    scf.for %scan3A_6 = %scan3A_1 to %scan3A_3 step %scan3A_4  : i32 {
      %mul3A_7 = arith.constant 1024 : i32
      %mul3A_8 = arith.muli %add3A, %mul3A_7 : i32
      %mul3A_9 = arith.constant 128 : i32
      %mul3A_10 = arith.muli %scan3A_6, %mul3A_9 : i32
      %add3A_11 = arith.addi %mul3A_8, %mul3A_10 : i32
      "tpu.region"() ({
        %run_scoped3A = tpu.sem_alloc : memref<!tpu.dma_semaphore, #tpu.memory_space<semaphore_mem>>
        %dma_start3A_16 = tpu.memref_slice %arg3[%add3A_11] : memref<32768xi32, #tpu.memory_space<hbm>> -> memref<128xi32, #tpu.memory_space<hbm>>
        %dma_start3A_17 = tpu.memref_slice %arg3[%add3A_11] : memref<32768xi32, #tpu.memory_space<hbm>> -> memref<128xi32, #tpu.memory_space<hbm>>
        tpu.enqueue_dma source(%dma_start3A_17 : memref<128xi32, #tpu.memory_space<hbm>>) target(%arg5 : memref<128xi32, #tpu.memory_space<vmem>>) target_semaphore(%run_scoped3A : memref<!tpu.dma_semaphore, #tpu.memory_space<semaphore_mem>>)
        %dma_wait3A_18 = tpu.memref_slice %arg3[%add3A_11] : memref<32768xi32, #tpu.memory_space<hbm>> -> memref<128xi32, #tpu.memory_space<hbm>>
        %dma_wait3A_19 = tpu.memref_slice %arg3[%add3A_11] : memref<32768xi32, #tpu.memory_space<hbm>> -> memref<128xi32, #tpu.memory_space<hbm>>
        tpu.wait_dma2 semaphore(%run_scoped3A : memref<!tpu.dma_semaphore, #tpu.memory_space<semaphore_mem>>) src(%dma_wait3A_19 : memref<128xi32, #tpu.memory_space<hbm>>) dst(%arg5 : memref<128xi32, #tpu.memory_space<vmem>>)
        tpu.yield
      }) : () -> ()
      %dma_start3A = arith.constant 0 : i32
      %dma_start3A_12 = arith.constant 0 : i32
      %dma_start3A_13 = tpu.memref_slice %arg2[%dma_start3A, %dma_start3A_12] : memref<8192x384xi32, #tpu.memory_space<hbm>> -> memref<8192x384xi32, #tpu.memory_space<hbm>>
      tpu.enqueue_indirect_dma source(%dma_start3A_13 : memref<8192x384xi32, #tpu.memory_space<hbm>>) target(%arg6 : memref<128x384xi32, #tpu.memory_space<vmem>>) offsets(%arg5 : memref<128xi32, #tpu.memory_space<vmem>>) semaphore(%arg7 : memref<!tpu.dma_semaphore, #tpu.memory_space<semaphore_mem>>)
      %dma_wait3A = arith.constant 0 : i32
      %dma_wait3A_14 = arith.constant 0 : i32
      %dma_wait3A_15 = tpu.memref_slice %arg2[%dma_wait3A, %dma_wait3A_14] : memref<8192x384xi32, #tpu.memory_space<hbm>> -> memref<8192x384xi32, #tpu.memory_space<hbm>>
      tpu.wait_indirect_dma semaphore(%arg7 : memref<!tpu.dma_semaphore, #tpu.memory_space<semaphore_mem>>) src(%dma_wait3A_15 : memref<8192x384xi32, #tpu.memory_space<hbm>>) dst(%arg6 : memref<128x384xi32, #tpu.memory_space<vmem>>)
      "tpu.region"() ({
        %run_scoped3A = tpu.sem_alloc : memref<!tpu.dma_semaphore, #tpu.memory_space<semaphore_mem>>
        %dma_start3A_16 = arith.constant 0 : i32
        %dma_start3A_17 = tpu.memref_slice %arg4[%add3A_11, %dma_start3A_16] : memref<32768x384xi32, #tpu.memory_space<hbm>> -> memref<128x384xi32, #tpu.memory_space<hbm>>
        %dma_start3A_18 = arith.constant 0 : i32
        %dma_start3A_19 = tpu.memref_slice %arg4[%add3A_11, %dma_start3A_18] : memref<32768x384xi32, #tpu.memory_space<hbm>> -> memref<128x384xi32, #tpu.memory_space<hbm>>
        tpu.enqueue_dma source(%arg6 : memref<128x384xi32, #tpu.memory_space<vmem>>) target(%dma_start3A_19 : memref<128x384xi32, #tpu.memory_space<hbm>>) target_semaphore(%run_scoped3A : memref<!tpu.dma_semaphore, #tpu.memory_space<semaphore_mem>>)
        %dma_wait3A_20 = arith.constant 0 : i32
        %dma_wait3A_21 = tpu.memref_slice %arg4[%add3A_11, %dma_wait3A_20] : memref<32768x384xi32, #tpu.memory_space<hbm>> -> memref<128x384xi32, #tpu.memory_space<hbm>>
        %dma_wait3A_22 = arith.constant 0 : i32
        %dma_wait3A_23 = tpu.memref_slice %arg4[%add3A_11, %dma_wait3A_22] : memref<32768x384xi32, #tpu.memory_space<hbm>> -> memref<128x384xi32, #tpu.memory_space<hbm>>
        tpu.wait_dma2 semaphore(%run_scoped3A : memref<!tpu.dma_semaphore, #tpu.memory_space<semaphore_mem>>) src(%arg6 : memref<128x384xi32, #tpu.memory_space<vmem>>) dst(%dma_wait3A_23 : memref<128x384xi32, #tpu.memory_space<hbm>>)
        tpu.yield
      }) : () -> ()
    }
    %scan3A_5 = arith.constant 8 : i32
    return
  }
}

#map = affine_map<(d0, d1) -> (0, 0)>
#map1 = affine_map<(d0, d1) -> (0)>
module attributes {stable_mosaic.version = 14 : i64} {
  func.func @k(%arg0: i32, %arg1: i32, %arg2: memref<8192x384xi32, #tpu.memory_space<hbm>>, %arg3: memref<32768xi32, #tpu.memory_space<hbm>>, %arg4: memref<32768x384xi32, #tpu.memory_space<hbm>>, %arg5: memref<128xi32, #tpu.memory_space<vmem>>, %arg6: memref<128x384xi32, #tpu.memory_space<vmem>>, %arg7: memref<!tpu.dma_semaphore, #tpu.memory_space<semaphore_mem>>) attributes {dimension_semantics = [#tpu.dimension_semantics<core_parallel>, #tpu.dimension_semantics<subcore_parallel>], iteration_bounds = array<i64: 2, 16>, scalar_prefetch = 0 : i64, scratch_operands = 3 : i64, tpu.core_type = #tpu.core_type<sc_vector_subcore>, window_params = [{transform_indices = #map}, {transform_indices = #map1}, {transform_indices = #map}]} {
    %mul3A = arith.constant 2 : i32
    %mul3A_0 = arith.muli %arg1, %mul3A : i32
    %add3A = arith.addi %mul3A_0, %arg0 : i32
    %scan3A = arith.constant 0 : i32
    %scan3A_1 = arith.constant 0 : i32
    %scan3A_2 = arith.constant 8 : i32
    %scan3A_3 = arith.addi %scan3A_1, %scan3A_2 : i32
    %scan3A_4 = arith.constant 1 : i32
    scf.for %scan3A_6 = %scan3A_1 to %scan3A_3 step %scan3A_4  : i32 {
      %mul3A_7 = arith.constant 1024 : i32
      %mul3A_8 = arith.muli %add3A, %mul3A_7 : i32
      %mul3A_9 = arith.constant 128 : i32
      %mul3A_10 = arith.muli %scan3A_6, %mul3A_9 : i32
      %add3A_11 = arith.addi %mul3A_8, %mul3A_10 : i32
      "tpu.region"() ({
        %run_scoped3A = tpu.sem_alloc : memref<!tpu.dma_semaphore, #tpu.memory_space<semaphore_mem>>
        %dma_start3A_16 = tpu.memref_slice %arg3[%add3A_11] : memref<32768xi32, #tpu.memory_space<hbm>> -> memref<128xi32, #tpu.memory_space<hbm>>
        %dma_start3A_17 = tpu.memref_slice %arg3[%add3A_11] : memref<32768xi32, #tpu.memory_space<hbm>> -> memref<128xi32, #tpu.memory_space<hbm>>
        tpu.enqueue_dma source(%dma_start3A_17 : memref<128xi32, #tpu.memory_space<hbm>>) target(%arg5 : memref<128xi32, #tpu.memory_space<vmem>>) target_semaphore(%run_scoped3A : memref<!tpu.dma_semaphore, #tpu.memory_space<semaphore_mem>>)
        %dma_wait3A_18 = tpu.memref_slice %arg3[%add3A_11] : memref<32768xi32, #tpu.memory_space<hbm>> -> memref<128xi32, #tpu.memory_space<hbm>>
        %dma_wait3A_19 = tpu.memref_slice %arg3[%add3A_11] : memref<32768xi32, #tpu.memory_space<hbm>> -> memref<128xi32, #tpu.memory_space<hbm>>
        tpu.wait_dma2 semaphore(%run_scoped3A : memref<!tpu.dma_semaphore, #tpu.memory_space<semaphore_mem>>) src(%dma_wait3A_19 : memref<128xi32, #tpu.memory_space<hbm>>) dst(%arg5 : memref<128xi32, #tpu.memory_space<vmem>>)
        tpu.yield
      }) : () -> ()
      %dma_start3A = arith.constant 0 : i32
      %dma_start3A_12 = arith.constant 0 : i32
      %dma_start3A_13 = tpu.memref_slice %arg2[%dma_start3A, %dma_start3A_12] : memref<8192x384xi32, #tpu.memory_space<hbm>> -> memref<8192x384xi32, #tpu.memory_space<hbm>>
      tpu.enqueue_indirect_dma source(%dma_start3A_13 : memref<8192x384xi32, #tpu.memory_space<hbm>>) target(%arg6 : memref<128x384xi32, #tpu.memory_space<vmem>>) offsets(%arg5 : memref<128xi32, #tpu.memory_space<vmem>>) semaphore(%arg7 : memref<!tpu.dma_semaphore, #tpu.memory_space<semaphore_mem>>)
      %dma_wait3A = arith.constant 0 : i32
      %dma_wait3A_14 = arith.constant 0 : i32
      %dma_wait3A_15 = tpu.memref_slice %arg2[%dma_wait3A, %dma_wait3A_14] : memref<8192x384xi32, #tpu.memory_space<hbm>> -> memref<8192x384xi32, #tpu.memory_space<hbm>>
      tpu.wait_indirect_dma semaphore(%arg7 : memref<!tpu.dma_semaphore, #tpu.memory_space<semaphore_mem>>) src(%dma_wait3A_15 : memref<8192x384xi32, #tpu.memory_space<hbm>>) dst(%arg6 : memref<128x384xi32, #tpu.memory_space<vmem>>)
      "tpu.region"() ({
        %run_scoped3A = tpu.sem_alloc : memref<!tpu.dma_semaphore, #tpu.memory_space<semaphore_mem>>
        %dma_start3A_16 = arith.constant 0 : i32
        %dma_start3A_17 = tpu.memref_slice %arg4[%add3A_11, %dma_start3A_16] : memref<32768x384xi32, #tpu.memory_space<hbm>> -> memref<128x384xi32, #tpu.memory_space<hbm>>
        %dma_start3A_18 = arith.constant 0 : i32
        %dma_start3A_19 = tpu.memref_slice %arg4[%add3A_11, %dma_start3A_18] : memref<32768x384xi32, #tpu.memory_space<hbm>> -> memref<128x384xi32, #tpu.memory_space<hbm>>
        tpu.enqueue_dma source(%arg6 : memref<128x384xi32, #tpu.memory_space<vmem>>) target(%dma_start3A_19 : memref<128x384xi32, #tpu.memory_space<hbm>>) target_semaphore(%run_scoped3A : memref<!tpu.dma_semaphore, #tpu.memory_space<semaphore_mem>>)
        %dma_wait3A_20 = arith.constant 0 : i32
        %dma_wait3A_21 = tpu.memref_slice %arg4[%add3A_11, %dma_wait3A_20] : memref<32768x384xi32, #tpu.memory_space<hbm>> -> memref<128x384xi32, #tpu.memory_space<hbm>>
        %dma_wait3A_22 = arith.constant 0 : i32
        %dma_wait3A_23 = tpu.memref_slice %arg4[%add3A_11, %dma_wait3A_22] : memref<32768x384xi32, #tpu.memory_space<hbm>> -> memref<128x384xi32, #tpu.memory_space<hbm>>
        tpu.wait_dma2 semaphore(%run_scoped3A : memref<!tpu.dma_semaphore, #tpu.memory_space<semaphore_mem>>) src(%arg6 : memref<128x384xi32, #tpu.memory_space<vmem>>) dst(%dma_wait3A_23 : memref<128x384xi32, #tpu.memory_space<hbm>>)
        tpu.yield
      }) : () -> ()
    }
    %scan3A_5 = arith.constant 8 : i32
    return
  }
}

#map = affine_map<(d0, d1) -> (0, 0)>
#map1 = affine_map<(d0, d1) -> (0)>
module attributes {stable_mosaic.version = 14 : i64} {
  func.func @k(%arg0: i32, %arg1: i32, %arg2: memref<8192x384xi32, #tpu.memory_space<hbm>>, %arg3: memref<32768xi32, #tpu.memory_space<hbm>>, %arg4: memref<32768x384xi32, #tpu.memory_space<hbm>>, %arg5: memref<128xi32, #tpu.memory_space<vmem>>, %arg6: memref<128x384xi32, #tpu.memory_space<vmem>>, %arg7: memref<!tpu.dma_semaphore, #tpu.memory_space<semaphore_mem>>) attributes {dimension_semantics = [#tpu.dimension_semantics<core_parallel>, #tpu.dimension_semantics<subcore_parallel>], iteration_bounds = array<i64: 2, 16>, scalar_prefetch = 0 : i64, scratch_operands = 3 : i64, tpu.core_type = #tpu.core_type<sc_vector_subcore>, window_params = [{transform_indices = #map}, {transform_indices = #map1}, {transform_indices = #map}]} {
    %mul3A = arith.constant 2 : i32
    %mul3A_0 = arith.muli %arg1, %mul3A : i32
    %add3A = arith.addi %mul3A_0, %arg0 : i32
    %scan3A = arith.constant 0 : i32
    %scan3A_1 = arith.constant 0 : i32
    %scan3A_2 = arith.constant 8 : i32
    %scan3A_3 = arith.addi %scan3A_1, %scan3A_2 : i32
    %scan3A_4 = arith.constant 1 : i32
    scf.for %scan3A_6 = %scan3A_1 to %scan3A_3 step %scan3A_4  : i32 {
      %mul3A_7 = arith.constant 1024 : i32
      %mul3A_8 = arith.muli %add3A, %mul3A_7 : i32
      %mul3A_9 = arith.constant 128 : i32
      %mul3A_10 = arith.muli %scan3A_6, %mul3A_9 : i32
      %add3A_11 = arith.addi %mul3A_8, %mul3A_10 : i32
      "tpu.region"() ({
        %run_scoped3A = tpu.sem_alloc : memref<!tpu.dma_semaphore, #tpu.memory_space<semaphore_mem>>
        %dma_start3A_16 = tpu.memref_slice %arg3[%add3A_11] : memref<32768xi32, #tpu.memory_space<hbm>> -> memref<128xi32, #tpu.memory_space<hbm>>
        %dma_start3A_17 = tpu.memref_slice %arg3[%add3A_11] : memref<32768xi32, #tpu.memory_space<hbm>> -> memref<128xi32, #tpu.memory_space<hbm>>
        tpu.enqueue_dma source(%dma_start3A_17 : memref<128xi32, #tpu.memory_space<hbm>>) target(%arg5 : memref<128xi32, #tpu.memory_space<vmem>>) target_semaphore(%run_scoped3A : memref<!tpu.dma_semaphore, #tpu.memory_space<semaphore_mem>>)
        %dma_wait3A_18 = tpu.memref_slice %arg3[%add3A_11] : memref<32768xi32, #tpu.memory_space<hbm>> -> memref<128xi32, #tpu.memory_space<hbm>>
        %dma_wait3A_19 = tpu.memref_slice %arg3[%add3A_11] : memref<32768xi32, #tpu.memory_space<hbm>> -> memref<128xi32, #tpu.memory_space<hbm>>
        tpu.wait_dma2 semaphore(%run_scoped3A : memref<!tpu.dma_semaphore, #tpu.memory_space<semaphore_mem>>) src(%dma_wait3A_19 : memref<128xi32, #tpu.memory_space<hbm>>) dst(%arg5 : memref<128xi32, #tpu.memory_space<vmem>>)
        tpu.yield
      }) : () -> ()
      %dma_start3A = arith.constant 0 : i32
      %dma_start3A_12 = arith.constant 0 : i32
      %dma_start3A_13 = tpu.memref_slice %arg2[%dma_start3A, %dma_start3A_12] : memref<8192x384xi32, #tpu.memory_space<hbm>> -> memref<8192x384xi32, #tpu.memory_space<hbm>>
      tpu.enqueue_indirect_dma source(%dma_start3A_13 : memref<8192x384xi32, #tpu.memory_space<hbm>>) target(%arg6 : memref<128x384xi32, #tpu.memory_space<vmem>>) offsets(%arg5 : memref<128xi32, #tpu.memory_space<vmem>>) semaphore(%arg7 : memref<!tpu.dma_semaphore, #tpu.memory_space<semaphore_mem>>)
      %dma_wait3A = arith.constant 0 : i32
      %dma_wait3A_14 = arith.constant 0 : i32
      %dma_wait3A_15 = tpu.memref_slice %arg2[%dma_wait3A, %dma_wait3A_14] : memref<8192x384xi32, #tpu.memory_space<hbm>> -> memref<8192x384xi32, #tpu.memory_space<hbm>>
      tpu.wait_indirect_dma semaphore(%arg7 : memref<!tpu.dma_semaphore, #tpu.memory_space<semaphore_mem>>) src(%dma_wait3A_15 : memref<8192x384xi32, #tpu.memory_space<hbm>>) dst(%arg6 : memref<128x384xi32, #tpu.memory_space<vmem>>)
      "tpu.region"() ({
        %run_scoped3A = tpu.sem_alloc : memref<!tpu.dma_semaphore, #tpu.memory_space<semaphore_mem>>
        %dma_start3A_16 = arith.constant 0 : i32
        %dma_start3A_17 = tpu.memref_slice %arg4[%add3A_11, %dma_start3A_16] : memref<32768x384xi32, #tpu.memory_space<hbm>> -> memref<128x384xi32, #tpu.memory_space<hbm>>
        %dma_start3A_18 = arith.constant 0 : i32
        %dma_start3A_19 = tpu.memref_slice %arg4[%add3A_11, %dma_start3A_18] : memref<32768x384xi32, #tpu.memory_space<hbm>> -> memref<128x384xi32, #tpu.memory_space<hbm>>
        tpu.enqueue_dma source(%arg6 : memref<128x384xi32, #tpu.memory_space<vmem>>) target(%dma_start3A_19 : memref<128x384xi32, #tpu.memory_space<hbm>>) target_semaphore(%run_scoped3A : memref<!tpu.dma_semaphore, #tpu.memory_space<semaphore_mem>>)
        %dma_wait3A_20 = arith.constant 0 : i32
        %dma_wait3A_21 = tpu.memref_slice %arg4[%add3A_11, %dma_wait3A_20] : memref<32768x384xi32, #tpu.memory_space<hbm>> -> memref<128x384xi32, #tpu.memory_space<hbm>>
        %dma_wait3A_22 = arith.constant 0 : i32
        %dma_wait3A_23 = tpu.memref_slice %arg4[%add3A_11, %dma_wait3A_22] : memref<32768x384xi32, #tpu.memory_space<hbm>> -> memref<128x384xi32, #tpu.memory_space<hbm>>
        tpu.wait_dma2 semaphore(%run_scoped3A : memref<!tpu.dma_semaphore, #tpu.memory_space<semaphore_mem>>) src(%arg6 : memref<128x384xi32, #tpu.memory_space<vmem>>) dst(%dma_wait3A_23 : memref<128x384xi32, #tpu.memory_space<hbm>>)
        tpu.yield
      }) : () -> ()
    }
    %scan3A_5 = arith.constant 8 : i32
    return
  }
}

#map = affine_map<(d0, d1) -> (0, 0)>
#map1 = affine_map<(d0, d1) -> (0)>
module attributes {stable_mosaic.version = 14 : i64} {
  func.func @k(%arg0: i32, %arg1: i32, %arg2: memref<8192x384xi32, #tpu.memory_space<hbm>>, %arg3: memref<32768xi32, #tpu.memory_space<hbm>>, %arg4: memref<32768x384xi32, #tpu.memory_space<hbm>>, %arg5: memref<128xi32, #tpu.memory_space<vmem>>, %arg6: memref<128x384xi32, #tpu.memory_space<vmem>>, %arg7: memref<!tpu.dma_semaphore, #tpu.memory_space<semaphore_mem>>) attributes {dimension_semantics = [#tpu.dimension_semantics<core_parallel>, #tpu.dimension_semantics<subcore_parallel>], iteration_bounds = array<i64: 2, 16>, scalar_prefetch = 0 : i64, scratch_operands = 3 : i64, tpu.core_type = #tpu.core_type<sc_vector_subcore>, window_params = [{transform_indices = #map}, {transform_indices = #map1}, {transform_indices = #map}]} {
    %mul3A = arith.constant 2 : i32
    %mul3A_0 = arith.muli %arg1, %mul3A : i32
    %add3A = arith.addi %mul3A_0, %arg0 : i32
    %scan3A = arith.constant 0 : i32
    %scan3A_1 = arith.constant 0 : i32
    %scan3A_2 = arith.constant 8 : i32
    %scan3A_3 = arith.addi %scan3A_1, %scan3A_2 : i32
    %scan3A_4 = arith.constant 1 : i32
    scf.for %scan3A_6 = %scan3A_1 to %scan3A_3 step %scan3A_4  : i32 {
      %mul3A_7 = arith.constant 1024 : i32
      %mul3A_8 = arith.muli %add3A, %mul3A_7 : i32
      %mul3A_9 = arith.constant 128 : i32
      %mul3A_10 = arith.muli %scan3A_6, %mul3A_9 : i32
      %add3A_11 = arith.addi %mul3A_8, %mul3A_10 : i32
      "tpu.region"() ({
        %run_scoped3A = tpu.sem_alloc : memref<!tpu.dma_semaphore, #tpu.memory_space<semaphore_mem>>
        %dma_start3A_16 = tpu.memref_slice %arg3[%add3A_11] : memref<32768xi32, #tpu.memory_space<hbm>> -> memref<128xi32, #tpu.memory_space<hbm>>
        %dma_start3A_17 = tpu.memref_slice %arg3[%add3A_11] : memref<32768xi32, #tpu.memory_space<hbm>> -> memref<128xi32, #tpu.memory_space<hbm>>
        tpu.enqueue_dma source(%dma_start3A_17 : memref<128xi32, #tpu.memory_space<hbm>>) target(%arg5 : memref<128xi32, #tpu.memory_space<vmem>>) target_semaphore(%run_scoped3A : memref<!tpu.dma_semaphore, #tpu.memory_space<semaphore_mem>>)
        %dma_wait3A_18 = tpu.memref_slice %arg3[%add3A_11] : memref<32768xi32, #tpu.memory_space<hbm>> -> memref<128xi32, #tpu.memory_space<hbm>>
        %dma_wait3A_19 = tpu.memref_slice %arg3[%add3A_11] : memref<32768xi32, #tpu.memory_space<hbm>> -> memref<128xi32, #tpu.memory_space<hbm>>
        tpu.wait_dma2 semaphore(%run_scoped3A : memref<!tpu.dma_semaphore, #tpu.memory_space<semaphore_mem>>) src(%dma_wait3A_19 : memref<128xi32, #tpu.memory_space<hbm>>) dst(%arg5 : memref<128xi32, #tpu.memory_space<vmem>>)
        tpu.yield
      }) : () -> ()
      %dma_start3A = arith.constant 0 : i32
      %dma_start3A_12 = arith.constant 0 : i32
      %dma_start3A_13 = tpu.memref_slice %arg2[%dma_start3A, %dma_start3A_12] : memref<8192x384xi32, #tpu.memory_space<hbm>> -> memref<8192x384xi32, #tpu.memory_space<hbm>>
      tpu.enqueue_indirect_dma source(%dma_start3A_13 : memref<8192x384xi32, #tpu.memory_space<hbm>>) target(%arg6 : memref<128x384xi32, #tpu.memory_space<vmem>>) offsets(%arg5 : memref<128xi32, #tpu.memory_space<vmem>>) semaphore(%arg7 : memref<!tpu.dma_semaphore, #tpu.memory_space<semaphore_mem>>)
      %dma_wait3A = arith.constant 0 : i32
      %dma_wait3A_14 = arith.constant 0 : i32
      %dma_wait3A_15 = tpu.memref_slice %arg2[%dma_wait3A, %dma_wait3A_14] : memref<8192x384xi32, #tpu.memory_space<hbm>> -> memref<8192x384xi32, #tpu.memory_space<hbm>>
      tpu.wait_indirect_dma semaphore(%arg7 : memref<!tpu.dma_semaphore, #tpu.memory_space<semaphore_mem>>) src(%dma_wait3A_15 : memref<8192x384xi32, #tpu.memory_space<hbm>>) dst(%arg6 : memref<128x384xi32, #tpu.memory_space<vmem>>)
      "tpu.region"() ({
        %run_scoped3A = tpu.sem_alloc : memref<!tpu.dma_semaphore, #tpu.memory_space<semaphore_mem>>
        %dma_start3A_16 = arith.constant 0 : i32
        %dma_start3A_17 = tpu.memref_slice %arg4[%add3A_11, %dma_start3A_16] : memref<32768x384xi32, #tpu.memory_space<hbm>> -> memref<128x384xi32, #tpu.memory_space<hbm>>
        %dma_start3A_18 = arith.constant 0 : i32
        %dma_start3A_19 = tpu.memref_slice %arg4[%add3A_11, %dma_start3A_18] : memref<32768x384xi32, #tpu.memory_space<hbm>> -> memref<128x384xi32, #tpu.memory_space<hbm>>
        tpu.enqueue_dma source(%arg6 : memref<128x384xi32, #tpu.memory_space<vmem>>) target(%dma_start3A_19 : memref<128x384xi32, #tpu.memory_space<hbm>>) target_semaphore(%run_scoped3A : memref<!tpu.dma_semaphore, #tpu.memory_space<semaphore_mem>>)
        %dma_wait3A_20 = arith.constant 0 : i32
        %dma_wait3A_21 = tpu.memref_slice %arg4[%add3A_11, %dma_wait3A_20] : memref<32768x384xi32, #tpu.memory_space<hbm>> -> memref<128x384xi32, #tpu.memory_space<hbm>>
        %dma_wait3A_22 = arith.constant 0 : i32
        %dma_wait3A_23 = tpu.memref_slice %arg4[%add3A_11, %dma_wait3A_22] : memref<32768x384xi32, #tpu.memory_space<hbm>> -> memref<128x384xi32, #tpu.memory_space<hbm>>
        tpu.wait_dma2 semaphore(%run_scoped3A : memref<!tpu.dma_semaphore, #tpu.memory_space<semaphore_mem>>) src(%arg6 : memref<128x384xi32, #tpu.memory_space<vmem>>) dst(%dma_wait3A_23 : memref<128x384xi32, #tpu.memory_space<hbm>>)
        tpu.yield
      }) : () -> ()
    }
    %scan3A_5 = arith.constant 8 : i32
    return
  }
}

module attributes {stable_mosaic.version = 14 : i64} {
  func.func @_k1_body(%arg0: i32, %arg1: memref<256x128xf32, #tpu.memory_space<vmem>>, %arg2: memref<2048x128xf32, #tpu.memory_space<vmem>>, %arg3: memref<256x16xi32, #tpu.memory_space<vmem>>) attributes {dimension_semantics = [#tpu.dimension_semantics<arbitrary>], iteration_bounds = array<i64: 8>, scalar_prefetch = 0 : i64, scratch_operands = 0 : i64, tpu.core_type = #tpu.core_type<tc>, window_params = [{transform_indices = @transform_0, window_bounds = array<i64: 256, 128>}, {pipeline_mode = #tpu.pipeline_mode<synchronous>, transform_indices = @transform_1, window_bounds = array<i64: 2048, 128>}, {transform_indices = @transform_2, window_bounds = array<i64: 256, 16>}]} {
    %get3A = arith.constant 0 : index
    %get3A_0 = arith.constant 0 : index
    %get3A_1 = vector.load %arg1[%get3A, %get3A_0] : memref<256x128xf32, #tpu.memory_space<vmem>>, vector<256x128xf32>
    %get3A_2 = arith.constant 0 : index
    %get3A_3 = arith.constant 0 : index
    %get3A_4 = vector.load %arg2[%get3A_2, %get3A_3] : memref<2048x128xf32, #tpu.memory_space<vmem>>, vector<2048x128xf32>
    %mul3A = arith.mulf %get3A_1, %get3A_1 : vector<256x128xf32>
    %reduce_sum3A = arith.constant dense<0.000000e+00> : vector<256xf32>
    %reduce_sum3A_5 = vector.multi_reduction <add>, %mul3A, %reduce_sum3A [1] : vector<256x128xf32> to vector<256xf32>
    %broadcast_in_dim3A = vector.shape_cast %reduce_sum3A_5 : vector<256xf32> to vector<256x1xf32>
    %mul3A_6 = arith.mulf %get3A_4, %get3A_4 : vector<2048x128xf32>
    %reduce_sum3A_7 = arith.constant dense<0.000000e+00> : vector<2048xf32>
    %reduce_sum3A_8 = vector.multi_reduction <add>, %mul3A_6, %reduce_sum3A_7 [1] : vector<2048x128xf32> to vector<2048xf32>
    %broadcast_in_dim3A_9 = vector.shape_cast %reduce_sum3A_8 : vector<2048xf32> to vector<2048x1xf32>
    %dot_general3A = arith.constant dense<0.000000e+00> : vector<256x2048xf32>
    %dot_general3A_10 = tpu.matmul %get3A_1, %get3A_4, %dot_general3A {dimension_numbers = #tpu.dot_dimension_numbers<[1], [1], [0], [0], [0, 0, 1, 0], [], []>, transpose_lhs_hint = false} : vector<256x128xf32>, vector<2048x128xf32>, vector<256x2048xf32> -> vector<256x2048xf32>
    %transpose3A = tpu.transpose %broadcast_in_dim3A_9, [1, 0] : vector<2048x1xf32> -> vector<1x2048xf32>
    %add3A = vector.broadcast %broadcast_in_dim3A : vector<256x1xf32> to vector<256x2048xf32>
    %add3A_11 = vector.broadcast %transpose3A : vector<1x2048xf32> to vector<256x2048xf32>
    %add3A_12 = arith.addf %add3A, %add3A_11 : vector<256x2048xf32>
    %mul3A_13 = arith.constant 2.000000e+00 : f32
    %mul3A_14 = vector.broadcast %mul3A_13 : f32 to vector<256x2048xf32>
    %mul3A_15 = arith.mulf %mul3A_14, %dot_general3A_10 : vector<256x2048xf32>
    %sub3A = arith.subf %add3A_12, %mul3A_15 : vector<256x2048xf32>
    %iota3A = tpu.iota {dimensions = array<i32: 1>} : vector<256x2048xi32>
    %reduce_min3A = arith.constant dense<0x7F800000> : vector<256xf32>
    %reduce_min3A_16 = vector.multi_reduction <minimumf>, %sub3A, %reduce_min3A [1] : vector<256x2048xf32> to vector<256xf32>
    %broadcast_in_dim3A_17 = vector.shape_cast %reduce_min3A_16 : vector<256xf32> to vector<256x1xf32>
    %le3A = vector.broadcast %broadcast_in_dim3A_17 : vector<256x1xf32> to vector<256x2048xf32>
    %le3A_18 = arith.cmpf ole, %sub3A, %le3A : vector<256x2048xf32>
    %jit3A = arith.constant 2048 : i32
    %broadcast_in_dim3A_19 = vector.broadcast %jit3A : i32 to vector<256x2048xi32>
    %select_n3A = arith.select %le3A_18, %iota3A, %broadcast_in_dim3A_19 : vector<256x2048xi1>, vector<256x2048xi32>
    %reduce_min3A_20 = arith.constant dense<2147483647> : vector<256xi32>
    %reduce_min3A_21 = vector.multi_reduction <minsi>, %select_n3A, %reduce_min3A_20 [1] : vector<256x2048xi32> to vector<256xi32>
    %broadcast_in_dim3A_22 = vector.shape_cast %reduce_min3A_21 : vector<256xi32> to vector<256x1xi32>
    %swap3A = arith.constant 0 : index
    %swap3A_23 = arith.constant 0 : index
    %swap3A_24 = vector.load %arg3[%swap3A, %swap3A_23] : memref<256x16xi32, #tpu.memory_space<vmem>>, vector<256x1xi32>
    tpu.vector_store %arg3[%swap3A, %swap3A_23], %broadcast_in_dim3A_22 {strides = array<i32>} : memref<256x16xi32, #tpu.memory_space<vmem>>, vector<256x1xi32>,
    %eq3A = vector.broadcast %broadcast_in_dim3A_22 : vector<256x1xi32> to vector<256x2048xi32>
    %eq3A_25 = arith.cmpi eq, %iota3A, %eq3A : vector<256x2048xi32>
    %jit3A_26 = arith.constant 0x7F800000 : f32
    %broadcast_in_dim3A_27 = vector.broadcast %jit3A_26 : f32 to vector<256x2048xf32>
    %select_n3A_28 = arith.select %eq3A_25, %broadcast_in_dim3A_27, %sub3A : vector<256x2048xi1>, vector<256x2048xf32>
    %reduce_min3A_29 = arith.constant dense<0x7F800000> : vector<256xf32>
    %reduce_min3A_30 = vector.multi_reduction <minimumf>, %select_n3A_28, %reduce_min3A_29 [1] : vector<256x2048xf32> to vector<256xf32>
    %broadcast_in_dim3A_31 = vector.shape_cast %reduce_min3A_30 : vector<256xf32> to vector<256x1xf32>
    %le3A_32 = vector.broadcast %broadcast_in_dim3A_31 : vector<256x1xf32> to vector<256x2048xf32>
    %le3A_33 = arith.cmpf ole, %select_n3A_28, %le3A_32 : vector<256x2048xf32>
    %jit3A_34 = arith.constant 2048 : i32
    %broadcast_in_dim3A_35 = vector.broadcast %jit3A_34 : i32 to vector<256x2048xi32>
    %select_n3A_36 = arith.select %le3A_33, %iota3A, %broadcast_in_dim3A_35 : vector<256x2048xi1>, vector<256x2048xi32>
    %reduce_min3A_37 = arith.constant dense<2147483647> : vector<256xi32>
    %reduce_min3A_38 = vector.multi_reduction <minsi>, %select_n3A_36, %reduce_min3A_37 [1] : vector<256x2048xi32> to vector<256xi32>
    %broadcast_in_dim3A_39 = vector.shape_cast %reduce_min3A_38 : vector<256xi32> to vector<256x1xi32>
    %swap3A_40 = arith.constant 0 : index
    %swap3A_41 = arith.constant 1 : index
    %swap3A_42 = vector.load %arg3[%swap3A_40, %swap3A_41] : memref<256x16xi32, #tpu.memory_space<vmem>>, vector<256x1xi32>
    tpu.vector_store %arg3[%swap3A_40, %swap3A_41], %broadcast_in_dim3A_39 {strides = array<i32>} : memref<256x16xi32, #tpu.memory_space<vmem>>, vector<256x1xi32>,
    %eq3A_43 = vector.broadcast %broadcast_in_dim3A_39 : vector<256x1xi32> to vector<256x2048xi32>
    %eq3A_44 = arith.cmpi eq, %iota3A, %eq3A_43 : vector<256x2048xi32>
    %jit3A_45 = arith.constant 0x7F800000 : f32
    %broadcast_in_dim3A_46 = vector.broadcast %jit3A_45 : f32 to vector<256x2048xf32>
    %select_n3A_47 = arith.select %eq3A_44, %broadcast_in_dim3A_46, %select_n3A_28 : vector<256x2048xi1>, vector<256x2048xf32>
    %reduce_min3A_48 = arith.constant dense<0x7F800000> : vector<256xf32>
    %reduce_min3A_49 = vector.multi_reduction <minimumf>, %select_n3A_47, %reduce_min3A_48 [1] : vector<256x2048xf32> to vector<256xf32>
    %broadcast_in_dim3A_50 = vector.shape_cast %reduce_min3A_49 : vector<256xf32> to vector<256x1xf32>
    %le3A_51 = vector.broadcast %broadcast_in_dim3A_50 : vector<256x1xf32> to vector<256x2048xf32>
    %le3A_52 = arith.cmpf ole, %select_n3A_47, %le3A_51 : vector<256x2048xf32>
    %jit3A_53 = arith.constant 2048 : i32
    %broadcast_in_dim3A_54 = vector.broadcast %jit3A_53 : i32 to vector<256x2048xi32>
    %select_n3A_55 = arith.select %le3A_52, %iota3A, %broadcast_in_dim3A_54 : vector<256x2048xi1>, vector<256x2048xi32>
    %reduce_min3A_56 = arith.constant dense<2147483647> : vector<256xi32>
    %reduce_min3A_57 = vector.multi_reduction <minsi>, %select_n3A_55, %reduce_min3A_56 [1] : vector<256x2048xi32> to vector<256xi32>
    %broadcast_in_dim3A_58 = vector.shape_cast %reduce_min3A_57 : vector<256xi32> to vector<256x1xi32>
    %swap3A_59 = arith.constant 0 : index
    %swap3A_60 = arith.constant 2 : index
    %swap3A_61 = vector.load %arg3[%swap3A_59, %swap3A_60] : memref<256x16xi32, #tpu.memory_space<vmem>>, vector<256x1xi32>
    tpu.vector_store %arg3[%swap3A_59, %swap3A_60], %broadcast_in_dim3A_58 {strides = array<i32>} : memref<256x16xi32, #tpu.memory_space<vmem>>, vector<256x1xi32>,
    %eq3A_62 = vector.broadcast %broadcast_in_dim3A_58 : vector<256x1xi32> to vector<256x2048xi32>
    %eq3A_63 = arith.cmpi eq, %iota3A, %eq3A_62 : vector<256x2048xi32>
    %jit3A_64 = arith.constant 0x7F800000 : f32
    %broadcast_in_dim3A_65 = vector.broadcast %jit3A_64 : f32 to vector<256x2048xf32>
    %select_n3A_66 = arith.select %eq3A_63, %broadcast_in_dim3A_65, %select_n3A_47 : vector<256x2048xi1>, vector<256x2048xf32>
    %reduce_min3A_67 = arith.constant dense<0x7F800000> : vector<256xf32>
    %reduce_min3A_68 = vector.multi_reduction <minimumf>, %select_n3A_66, %reduce_min3A_67 [1] : vector<256x2048xf32> to vector<256xf32>
    %broadcast_in_dim3A_69 = vector.shape_cast %reduce_min3A_68 : vector<256xf32> to vector<256x1xf32>
    %le3A_70 = vector.broadcast %broadcast_in_dim3A_69 : vector<256x1xf32> to vector<256x2048xf32>
    %le3A_71 = arith.cmpf ole, %select_n3A_66, %le3A_70 : vector<256x2048xf32>
    %jit3A_72 = arith.constant 2048 : i32
    %broadcast_in_dim3A_73 = vector.broadcast %jit3A_72 : i32 to vector<256x2048xi32>
    %select_n3A_74 = arith.select %le3A_71, %iota3A, %broadcast_in_dim3A_73 : vector<256x2048xi1>, vector<256x2048xi32>
    %reduce_min3A_75 = arith.constant dense<2147483647> : vector<256xi32>
    %reduce_min3A_76 = vector.multi_reduction <minsi>, %select_n3A_74, %reduce_min3A_75 [1] : vector<256x2048xi32> to vector<256xi32>
    %broadcast_in_dim3A_77 = vector.shape_cast %reduce_min3A_76 : vector<256xi32> to vector<256x1xi32>
    %swap3A_78 = arith.constant 0 : index
    %swap3A_79 = arith.constant 3 : index
    %swap3A_80 = vector.load %arg3[%swap3A_78, %swap3A_79] : memref<256x16xi32, #tpu.memory_space<vmem>>, vector<256x1xi32>
    tpu.vector_store %arg3[%swap3A_78, %swap3A_79], %broadcast_in_dim3A_77 {strides = array<i32>} : memref<256x16xi32, #tpu.memory_space<vmem>>, vector<256x1xi32>,
    %eq3A_81 = vector.broadcast %broadcast_in_dim3A_77 : vector<256x1xi32> to vector<256x2048xi32>
    %eq3A_82 = arith.cmpi eq, %iota3A, %eq3A_81 : vector<256x2048xi32>
    %jit3A_83 = arith.constant 0x7F800000 : f32
    %broadcast_in_dim3A_84 = vector.broadcast %jit3A_83 : f32 to vector<256x2048xf32>
    %select_n3A_85 = arith.select %eq3A_82, %broadcast_in_dim3A_84, %select_n3A_66 : vector<256x2048xi1>, vector<256x2048xf32>
    %reduce_min3A_86 = arith.constant dense<0x7F800000> : vector<256xf32>
    %reduce_min3A_87 = vector.multi_reduction <minimumf>, %select_n3A_85, %reduce_min3A_86 [1] : vector<256x2048xf32> to vector<256xf32>
    %broadcast_in_dim3A_88 = vector.shape_cast %reduce_min3A_87 : vector<256xf32> to vector<256x1xf32>
    %le3A_89 = vector.broadcast %broadcast_in_dim3A_88 : vector<256x1xf32> to vector<256x2048xf32>
    %le3A_90 = arith.cmpf ole, %select_n3A_85, %le3A_89 : vector<256x2048xf32>
    %jit3A_91 = arith.constant 2048 : i32
    %broadcast_in_dim3A_92 = vector.broadcast %jit3A_91 : i32 to vector<256x2048xi32>
    %select_n3A_93 = arith.select %le3A_90, %iota3A, %broadcast_in_dim3A_92 : vector<256x2048xi1>, vector<256x2048xi32>
    %reduce_min3A_94 = arith.constant dense<2147483647> : vector<256xi32>
    %reduce_min3A_95 = vector.multi_reduction <minsi>, %select_n3A_93, %reduce_min3A_94 [1] : vector<256x2048xi32> to vector<256xi32>
    %broadcast_in_dim3A_96 = vector.shape_cast %reduce_min3A_95 : vector<256xi32> to vector<256x1xi32>
    %swap3A_97 = arith.constant 0 : index
    %swap3A_98 = arith.constant 4 : index
    %swap3A_99 = vector.load %arg3[%swap3A_97, %swap3A_98] : memref<256x16xi32, #tpu.memory_space<vmem>>, vector<256x1xi32>
    tpu.vector_store %arg3[%swap3A_97, %swap3A_98], %broadcast_in_dim3A_96 {strides = array<i32>} : memref<256x16xi32, #tpu.memory_space<vmem>>, vector<256x1xi32>,
    %eq3A_100 = vector.broadcast %broadcast_in_dim3A_96 : vector<256x1xi32> to vector<256x2048xi32>
    %eq3A_101 = arith.cmpi eq, %iota3A, %eq3A_100 : vector<256x2048xi32>
    %jit3A_102 = arith.constant 0x7F800000 : f32
    %broadcast_in_dim3A_103 = vector.broadcast %jit3A_102 : f32 to vector<256x2048xf32>
    %select_n3A_104 = arith.select %eq3A_101, %broadcast_in_dim3A_103, %select_n3A_85 : vector<256x2048xi1>, vector<256x2048xf32>
    %reduce_min3A_105 = arith.constant dense<0x7F800000> : vector<256xf32>
    %reduce_min3A_106 = vector.multi_reduction <minimumf>, %select_n3A_104, %reduce_min3A_105 [1] : vector<256x2048xf32> to vector<256xf32>
    %broadcast_in_dim3A_107 = vector.shape_cast %reduce_min3A_106 : vector<256xf32> to vector<256x1xf32>
    %le3A_108 = vector.broadcast %broadcast_in_dim3A_107 : vector<256x1xf32> to vector<256x2048xf32>
    %le3A_109 = arith.cmpf ole, %select_n3A_104, %le3A_108 : vector<256x2048xf32>
    %jit3A_110 = arith.constant 2048 : i32
    %broadcast_in_dim3A_111 = vector.broadcast %jit3A_110 : i32 to vector<256x2048xi32>
    %select_n3A_112 = arith.select %le3A_109, %iota3A, %broadcast_in_dim3A_111 : vector<256x2048xi1>, vector<256x2048xi32>
    %reduce_min3A_113 = arith.constant dense<2147483647> : vector<256xi32>
    %reduce_min3A_114 = vector.multi_reduction <minsi>, %select_n3A_112, %reduce_min3A_113 [1] : vector<256x2048xi32> to vector<256xi32>
    %broadcast_in_dim3A_115 = vector.shape_cast %reduce_min3A_114 : vector<256xi32> to vector<256x1xi32>
    %swap3A_116 = arith.constant 0 : index
    %swap3A_117 = arith.constant 5 : index
    %swap3A_118 = vector.load %arg3[%swap3A_116, %swap3A_117] : memref<256x16xi32, #tpu.memory_space<vmem>>, vector<256x1xi32>
    tpu.vector_store %arg3[%swap3A_116, %swap3A_117], %broadcast_in_dim3A_115 {strides = array<i32>} : memref<256x16xi32, #tpu.memory_space<vmem>>, vector<256x1xi32>,
    %eq3A_119 = vector.broadcast %broadcast_in_dim3A_115 : vector<256x1xi32> to vector<256x2048xi32>
    %eq3A_120 = arith.cmpi eq, %iota3A, %eq3A_119 : vector<256x2048xi32>
    %jit3A_121 = arith.constant 0x7F800000 : f32
    %broadcast_in_dim3A_122 = vector.broadcast %jit3A_121 : f32 to vector<256x2048xf32>
    %select_n3A_123 = arith.select %eq3A_120, %broadcast_in_dim3A_122, %select_n3A_104 : vector<256x2048xi1>, vector<256x2048xf32>
    %reduce_min3A_124 = arith.constant dense<0x7F800000> : vector<256xf32>
    %reduce_min3A_125 = vector.multi_reduction <minimumf>, %select_n3A_123, %reduce_min3A_124 [1] : vector<256x2048xf32> to vector<256xf32>
    %broadcast_in_dim3A_126 = vector.shape_cast %reduce_min3A_125 : vector<256xf32> to vector<256x1xf32>
    %le3A_127 = vector.broadcast %broadcast_in_dim3A_126 : vector<256x1xf32> to vector<256x2048xf32>
    %le3A_128 = arith.cmpf ole, %select_n3A_123, %le3A_127 : vector<256x2048xf32>
    %jit3A_129 = arith.constant 2048 : i32
    %broadcast_in_dim3A_130 = vector.broadcast %jit3A_129 : i32 to vector<256x2048xi32>
    %select_n3A_131 = arith.select %le3A_128, %iota3A, %broadcast_in_dim3A_130 : vector<256x2048xi1>, vector<256x2048xi32>
    %reduce_min3A_132 = arith.constant dense<2147483647> : vector<256xi32>
    %reduce_min3A_133 = vector.multi_reduction <minsi>, %select_n3A_131, %reduce_min3A_132 [1] : vector<256x2048xi32> to vector<256xi32>
    %broadcast_in_dim3A_134 = vector.shape_cast %reduce_min3A_133 : vector<256xi32> to vector<256x1xi32>
    %swap3A_135 = arith.constant 0 : index
    %swap3A_136 = arith.constant 6 : index
    %swap3A_137 = vector.load %arg3[%swap3A_135, %swap3A_136] : memref<256x16xi32, #tpu.memory_space<vmem>>, vector<256x1xi32>
    tpu.vector_store %arg3[%swap3A_135, %swap3A_136], %broadcast_in_dim3A_134 {strides = array<i32>} : memref<256x16xi32, #tpu.memory_space<vmem>>, vector<256x1xi32>,
    %eq3A_138 = vector.broadcast %broadcast_in_dim3A_134 : vector<256x1xi32> to vector<256x2048xi32>
    %eq3A_139 = arith.cmpi eq, %iota3A, %eq3A_138 : vector<256x2048xi32>
    %jit3A_140 = arith.constant 0x7F800000 : f32
    %broadcast_in_dim3A_141 = vector.broadcast %jit3A_140 : f32 to vector<256x2048xf32>
    %select_n3A_142 = arith.select %eq3A_139, %broadcast_in_dim3A_141, %select_n3A_123 : vector<256x2048xi1>, vector<256x2048xf32>
    %reduce_min3A_143 = arith.constant dense<0x7F800000> : vector<256xf32>
    %reduce_min3A_144 = vector.multi_reduction <minimumf>, %select_n3A_142, %reduce_min3A_143 [1] : vector<256x2048xf32> to vector<256xf32>
    %broadcast_in_dim3A_145 = vector.shape_cast %reduce_min3A_144 : vector<256xf32> to vector<256x1xf32>
    %le3A_146 = vector.broadcast %broadcast_in_dim3A_145 : vector<256x1xf32> to vector<256x2048xf32>
    %le3A_147 = arith.cmpf ole, %select_n3A_142, %le3A_146 : vector<256x2048xf32>
    %jit3A_148 = arith.constant 2048 : i32
    %broadcast_in_dim3A_149 = vector.broadcast %jit3A_148 : i32 to vector<256x2048xi32>
    %select_n3A_150 = arith.select %le3A_147, %iota3A, %broadcast_in_dim3A_149 : vector<256x2048xi1>, vector<256x2048xi32>
    %reduce_min3A_151 = arith.constant dense<2147483647> : vector<256xi32>
    %reduce_min3A_152 = vector.multi_reduction <minsi>, %select_n3A_150, %reduce_min3A_151 [1] : vector<256x2048xi32> to vector<256xi32>
    %broadcast_in_dim3A_153 = vector.shape_cast %reduce_min3A_152 : vector<256xi32> to vector<256x1xi32>
    %swap3A_154 = arith.constant 0 : index
    %swap3A_155 = arith.constant 7 : index
    %swap3A_156 = vector.load %arg3[%swap3A_154, %swap3A_155] : memref<256x16xi32, #tpu.memory_space<vmem>>, vector<256x1xi32>
    tpu.vector_store %arg3[%swap3A_154, %swap3A_155], %broadcast_in_dim3A_153 {strides = array<i32>} : memref<256x16xi32, #tpu.memory_space<vmem>>, vector<256x1xi32>,
    %eq3A_157 = vector.broadcast %broadcast_in_dim3A_153 : vector<256x1xi32> to vector<256x2048xi32>
    %eq3A_158 = arith.cmpi eq, %iota3A, %eq3A_157 : vector<256x2048xi32>
    %jit3A_159 = arith.constant 0x7F800000 : f32
    %broadcast_in_dim3A_160 = vector.broadcast %jit3A_159 : f32 to vector<256x2048xf32>
    %select_n3A_161 = arith.select %eq3A_158, %broadcast_in_dim3A_160, %select_n3A_142 : vector<256x2048xi1>, vector<256x2048xf32>
    %reduce_min3A_162 = arith.constant dense<0x7F800000> : vector<256xf32>
    %reduce_min3A_163 = vector.multi_reduction <minimumf>, %select_n3A_161, %reduce_min3A_162 [1] : vector<256x2048xf32> to vector<256xf32>
    %broadcast_in_dim3A_164 = vector.shape_cast %reduce_min3A_163 : vector<256xf32> to vector<256x1xf32>
    %le3A_165 = vector.broadcast %broadcast_in_dim3A_164 : vector<256x1xf32> to vector<256x2048xf32>
    %le3A_166 = arith.cmpf ole, %select_n3A_161, %le3A_165 : vector<256x2048xf32>
    %jit3A_167 = arith.constant 2048 : i32
    %broadcast_in_dim3A_168 = vector.broadcast %jit3A_167 : i32 to vector<256x2048xi32>
    %select_n3A_169 = arith.select %le3A_166, %iota3A, %broadcast_in_dim3A_168 : vector<256x2048xi1>, vector<256x2048xi32>
    %reduce_min3A_170 = arith.constant dense<2147483647> : vector<256xi32>
    %reduce_min3A_171 = vector.multi_reduction <minsi>, %select_n3A_169, %reduce_min3A_170 [1] : vector<256x2048xi32> to vector<256xi32>
    %broadcast_in_dim3A_172 = vector.shape_cast %reduce_min3A_171 : vector<256xi32> to vector<256x1xi32>
    %swap3A_173 = arith.constant 0 : index
    %swap3A_174 = arith.constant 8 : index
    %swap3A_175 = vector.load %arg3[%swap3A_173, %swap3A_174] : memref<256x16xi32, #tpu.memory_space<vmem>>, vector<256x1xi32>
    tpu.vector_store %arg3[%swap3A_173, %swap3A_174], %broadcast_in_dim3A_172 {strides = array<i32>} : memref<256x16xi32, #tpu.memory_space<vmem>>, vector<256x1xi32>,
    %eq3A_176 = vector.broadcast %broadcast_in_dim3A_172 : vector<256x1xi32> to vector<256x2048xi32>
    %eq3A_177 = arith.cmpi eq, %iota3A, %eq3A_176 : vector<256x2048xi32>
    %jit3A_178 = arith.constant 0x7F800000 : f32
    %broadcast_in_dim3A_179 = vector.broadcast %jit3A_178 : f32 to vector<256x2048xf32>
    %select_n3A_180 = arith.select %eq3A_177, %broadcast_in_dim3A_179, %select_n3A_161 : vector<256x2048xi1>, vector<256x2048xf32>
    %reduce_min3A_181 = arith.constant dense<0x7F800000> : vector<256xf32>
    %reduce_min3A_182 = vector.multi_reduction <minimumf>, %select_n3A_180, %reduce_min3A_181 [1] : vector<256x2048xf32> to vector<256xf32>
    %broadcast_in_dim3A_183 = vector.shape_cast %reduce_min3A_182 : vector<256xf32> to vector<256x1xf32>
    %le3A_184 = vector.broadcast %broadcast_in_dim3A_183 : vector<256x1xf32> to vector<256x2048xf32>
    %le3A_185 = arith.cmpf ole, %select_n3A_180, %le3A_184 : vector<256x2048xf32>
    %jit3A_186 = arith.constant 2048 : i32
    %broadcast_in_dim3A_187 = vector.broadcast %jit3A_186 : i32 to vector<256x2048xi32>
    %select_n3A_188 = arith.select %le3A_185, %iota3A, %broadcast_in_dim3A_187 : vector<256x2048xi1>, vector<256x2048xi32>
    %reduce_min3A_189 = arith.constant dense<2147483647> : vector<256xi32>
    %reduce_min3A_190 = vector.multi_reduction <minsi>, %select_n3A_188, %reduce_min3A_189 [1] : vector<256x2048xi32> to vector<256xi32>
    %broadcast_in_dim3A_191 = vector.shape_cast %reduce_min3A_190 : vector<256xi32> to vector<256x1xi32>
    %swap3A_192 = arith.constant 0 : index
    %swap3A_193 = arith.constant 9 : index
    %swap3A_194 = vector.load %arg3[%swap3A_192, %swap3A_193] : memref<256x16xi32, #tpu.memory_space<vmem>>, vector<256x1xi32>
    tpu.vector_store %arg3[%swap3A_192, %swap3A_193], %broadcast_in_dim3A_191 {strides = array<i32>} : memref<256x16xi32, #tpu.memory_space<vmem>>, vector<256x1xi32>,
    %eq3A_195 = vector.broadcast %broadcast_in_dim3A_191 : vector<256x1xi32> to vector<256x2048xi32>
    %eq3A_196 = arith.cmpi eq, %iota3A, %eq3A_195 : vector<256x2048xi32>
    %jit3A_197 = arith.constant 0x7F800000 : f32
    %broadcast_in_dim3A_198 = vector.broadcast %jit3A_197 : f32 to vector<256x2048xf32>
    %select_n3A_199 = arith.select %eq3A_196, %broadcast_in_dim3A_198, %select_n3A_180 : vector<256x2048xi1>, vector<256x2048xf32>
    %reduce_min3A_200 = arith.constant dense<0x7F800000> : vector<256xf32>
    %reduce_min3A_201 = vector.multi_reduction <minimumf>, %select_n3A_199, %reduce_min3A_200 [1] : vector<256x2048xf32> to vector<256xf32>
    %broadcast_in_dim3A_202 = vector.shape_cast %reduce_min3A_201 : vector<256xf32> to vector<256x1xf32>
    %le3A_203 = vector.broadcast %broadcast_in_dim3A_202 : vector<256x1xf32> to vector<256x2048xf32>
    %le3A_204 = arith.cmpf ole, %select_n3A_199, %le3A_203 : vector<256x2048xf32>
    %jit3A_205 = arith.constant 2048 : i32
    %broadcast_in_dim3A_206 = vector.broadcast %jit3A_205 : i32 to vector<256x2048xi32>
    %select_n3A_207 = arith.select %le3A_204, %iota3A, %broadcast_in_dim3A_206 : vector<256x2048xi1>, vector<256x2048xi32>
    %reduce_min3A_208 = arith.constant dense<2147483647> : vector<256xi32>
    %reduce_min3A_209 = vector.multi_reduction <minsi>, %select_n3A_207, %reduce_min3A_208 [1] : vector<256x2048xi32> to vector<256xi32>
    %broadcast_in_dim3A_210 = vector.shape_cast %reduce_min3A_209 : vector<256xi32> to vector<256x1xi32>
    %swap3A_211 = arith.constant 0 : index
    %swap3A_212 = arith.constant 10 : index
    %swap3A_213 = vector.load %arg3[%swap3A_211, %swap3A_212] : memref<256x16xi32, #tpu.memory_space<vmem>>, vector<256x1xi32>
    tpu.vector_store %arg3[%swap3A_211, %swap3A_212], %broadcast_in_dim3A_210 {strides = array<i32>} : memref<256x16xi32, #tpu.memory_space<vmem>>, vector<256x1xi32>,
    %eq3A_214 = vector.broadcast %broadcast_in_dim3A_210 : vector<256x1xi32> to vector<256x2048xi32>
    %eq3A_215 = arith.cmpi eq, %iota3A, %eq3A_214 : vector<256x2048xi32>
    %jit3A_216 = arith.constant 0x7F800000 : f32
    %broadcast_in_dim3A_217 = vector.broadcast %jit3A_216 : f32 to vector<256x2048xf32>
    %select_n3A_218 = arith.select %eq3A_215, %broadcast_in_dim3A_217, %select_n3A_199 : vector<256x2048xi1>, vector<256x2048xf32>
    %reduce_min3A_219 = arith.constant dense<0x7F800000> : vector<256xf32>
    %reduce_min3A_220 = vector.multi_reduction <minimumf>, %select_n3A_218, %reduce_min3A_219 [1] : vector<256x2048xf32> to vector<256xf32>
    %broadcast_in_dim3A_221 = vector.shape_cast %reduce_min3A_220 : vector<256xf32> to vector<256x1xf32>
    %le3A_222 = vector.broadcast %broadcast_in_dim3A_221 : vector<256x1xf32> to vector<256x2048xf32>
    %le3A_223 = arith.cmpf ole, %select_n3A_218, %le3A_222 : vector<256x2048xf32>
    %jit3A_224 = arith.constant 2048 : i32
    %broadcast_in_dim3A_225 = vector.broadcast %jit3A_224 : i32 to vector<256x2048xi32>
    %select_n3A_226 = arith.select %le3A_223, %iota3A, %broadcast_in_dim3A_225 : vector<256x2048xi1>, vector<256x2048xi32>
    %reduce_min3A_227 = arith.constant dense<2147483647> : vector<256xi32>
    %reduce_min3A_228 = vector.multi_reduction <minsi>, %select_n3A_226, %reduce_min3A_227 [1] : vector<256x2048xi32> to vector<256xi32>
    %broadcast_in_dim3A_229 = vector.shape_cast %reduce_min3A_228 : vector<256xi32> to vector<256x1xi32>
    %swap3A_230 = arith.constant 0 : index
    %swap3A_231 = arith.constant 11 : index
    %swap3A_232 = vector.load %arg3[%swap3A_230, %swap3A_231] : memref<256x16xi32, #tpu.memory_space<vmem>>, vector<256x1xi32>
    tpu.vector_store %arg3[%swap3A_230, %swap3A_231], %broadcast_in_dim3A_229 {strides = array<i32>} : memref<256x16xi32, #tpu.memory_space<vmem>>, vector<256x1xi32>,
    %eq3A_233 = vector.broadcast %broadcast_in_dim3A_229 : vector<256x1xi32> to vector<256x2048xi32>
    %eq3A_234 = arith.cmpi eq, %iota3A, %eq3A_233 : vector<256x2048xi32>
    %jit3A_235 = arith.constant 0x7F800000 : f32
    %broadcast_in_dim3A_236 = vector.broadcast %jit3A_235 : f32 to vector<256x2048xf32>
    %select_n3A_237 = arith.select %eq3A_234, %broadcast_in_dim3A_236, %select_n3A_218 : vector<256x2048xi1>, vector<256x2048xf32>
    %reduce_min3A_238 = arith.constant dense<0x7F800000> : vector<256xf32>
    %reduce_min3A_239 = vector.multi_reduction <minimumf>, %select_n3A_237, %reduce_min3A_238 [1] : vector<256x2048xf32> to vector<256xf32>
    %broadcast_in_dim3A_240 = vector.shape_cast %reduce_min3A_239 : vector<256xf32> to vector<256x1xf32>
    %le3A_241 = vector.broadcast %broadcast_in_dim3A_240 : vector<256x1xf32> to vector<256x2048xf32>
    %le3A_242 = arith.cmpf ole, %select_n3A_237, %le3A_241 : vector<256x2048xf32>
    %jit3A_243 = arith.constant 2048 : i32
    %broadcast_in_dim3A_244 = vector.broadcast %jit3A_243 : i32 to vector<256x2048xi32>
    %select_n3A_245 = arith.select %le3A_242, %iota3A, %broadcast_in_dim3A_244 : vector<256x2048xi1>, vector<256x2048xi32>
    %reduce_min3A_246 = arith.constant dense<2147483647> : vector<256xi32>
    %reduce_min3A_247 = vector.multi_reduction <minsi>, %select_n3A_245, %reduce_min3A_246 [1] : vector<256x2048xi32> to vector<256xi32>
    %broadcast_in_dim3A_248 = vector.shape_cast %reduce_min3A_247 : vector<256xi32> to vector<256x1xi32>
    %swap3A_249 = arith.constant 0 : index
    %swap3A_250 = arith.constant 12 : index
    %swap3A_251 = vector.load %arg3[%swap3A_249, %swap3A_250] : memref<256x16xi32, #tpu.memory_space<vmem>>, vector<256x1xi32>
    tpu.vector_store %arg3[%swap3A_249, %swap3A_250], %broadcast_in_dim3A_248 {strides = array<i32>} : memref<256x16xi32, #tpu.memory_space<vmem>>, vector<256x1xi32>,
    %eq3A_252 = vector.broadcast %broadcast_in_dim3A_248 : vector<256x1xi32> to vector<256x2048xi32>
    %eq3A_253 = arith.cmpi eq, %iota3A, %eq3A_252 : vector<256x2048xi32>
    %jit3A_254 = arith.constant 0x7F800000 : f32
    %broadcast_in_dim3A_255 = vector.broadcast %jit3A_254 : f32 to vector<256x2048xf32>
    %select_n3A_256 = arith.select %eq3A_253, %broadcast_in_dim3A_255, %select_n3A_237 : vector<256x2048xi1>, vector<256x2048xf32>
    %reduce_min3A_257 = arith.constant dense<0x7F800000> : vector<256xf32>
    %reduce_min3A_258 = vector.multi_reduction <minimumf>, %select_n3A_256, %reduce_min3A_257 [1] : vector<256x2048xf32> to vector<256xf32>
    %broadcast_in_dim3A_259 = vector.shape_cast %reduce_min3A_258 : vector<256xf32> to vector<256x1xf32>
    %le3A_260 = vector.broadcast %broadcast_in_dim3A_259 : vector<256x1xf32> to vector<256x2048xf32>
    %le3A_261 = arith.cmpf ole, %select_n3A_256, %le3A_260 : vector<256x2048xf32>
    %jit3A_262 = arith.constant 2048 : i32
    %broadcast_in_dim3A_263 = vector.broadcast %jit3A_262 : i32 to vector<256x2048xi32>
    %select_n3A_264 = arith.select %le3A_261, %iota3A, %broadcast_in_dim3A_263 : vector<256x2048xi1>, vector<256x2048xi32>
    %reduce_min3A_265 = arith.constant dense<2147483647> : vector<256xi32>
    %reduce_min3A_266 = vector.multi_reduction <minsi>, %select_n3A_264, %reduce_min3A_265 [1] : vector<256x2048xi32> to vector<256xi32>
    %broadcast_in_dim3A_267 = vector.shape_cast %reduce_min3A_266 : vector<256xi32> to vector<256x1xi32>
    %swap3A_268 = arith.constant 0 : index
    %swap3A_269 = arith.constant 13 : index
    %swap3A_270 = vector.load %arg3[%swap3A_268, %swap3A_269] : memref<256x16xi32, #tpu.memory_space<vmem>>, vector<256x1xi32>
    tpu.vector_store %arg3[%swap3A_268, %swap3A_269], %broadcast_in_dim3A_267 {strides = array<i32>} : memref<256x16xi32, #tpu.memory_space<vmem>>, vector<256x1xi32>,
    %eq3A_271 = vector.broadcast %broadcast_in_dim3A_267 : vector<256x1xi32> to vector<256x2048xi32>
    %eq3A_272 = arith.cmpi eq, %iota3A, %eq3A_271 : vector<256x2048xi32>
    %jit3A_273 = arith.constant 0x7F800000 : f32
    %broadcast_in_dim3A_274 = vector.broadcast %jit3A_273 : f32 to vector<256x2048xf32>
    %select_n3A_275 = arith.select %eq3A_272, %broadcast_in_dim3A_274, %select_n3A_256 : vector<256x2048xi1>, vector<256x2048xf32>
    %reduce_min3A_276 = arith.constant dense<0x7F800000> : vector<256xf32>
    %reduce_min3A_277 = vector.multi_reduction <minimumf>, %select_n3A_275, %reduce_min3A_276 [1] : vector<256x2048xf32> to vector<256xf32>
    %broadcast_in_dim3A_278 = vector.shape_cast %reduce_min3A_277 : vector<256xf32> to vector<256x1xf32>
    %le3A_279 = vector.broadcast %broadcast_in_dim3A_278 : vector<256x1xf32> to vector<256x2048xf32>
    %le3A_280 = arith.cmpf ole, %select_n3A_275, %le3A_279 : vector<256x2048xf32>
    %jit3A_281 = arith.constant 2048 : i32
    %broadcast_in_dim3A_282 = vector.broadcast %jit3A_281 : i32 to vector<256x2048xi32>
    %select_n3A_283 = arith.select %le3A_280, %iota3A, %broadcast_in_dim3A_282 : vector<256x2048xi1>, vector<256x2048xi32>
    %reduce_min3A_284 = arith.constant dense<2147483647> : vector<256xi32>
    %reduce_min3A_285 = vector.multi_reduction <minsi>, %select_n3A_283, %reduce_min3A_284 [1] : vector<256x2048xi32> to vector<256xi32>
    %broadcast_in_dim3A_286 = vector.shape_cast %reduce_min3A_285 : vector<256xi32> to vector<256x1xi32>
    %swap3A_287 = arith.constant 0 : index
    %swap3A_288 = arith.constant 14 : index
    %swap3A_289 = vector.load %arg3[%swap3A_287, %swap3A_288] : memref<256x16xi32, #tpu.memory_space<vmem>>, vector<256x1xi32>
    tpu.vector_store %arg3[%swap3A_287, %swap3A_288], %broadcast_in_dim3A_286 {strides = array<i32>} : memref<256x16xi32, #tpu.memory_space<vmem>>, vector<256x1xi32>,
    %eq3A_290 = vector.broadcast %broadcast_in_dim3A_286 : vector<256x1xi32> to vector<256x2048xi32>
    %eq3A_291 = arith.cmpi eq, %iota3A, %eq3A_290 : vector<256x2048xi32>
    %jit3A_292 = arith.constant 0x7F800000 : f32
    %broadcast_in_dim3A_293 = vector.broadcast %jit3A_292 : f32 to vector<256x2048xf32>
    %select_n3A_294 = arith.select %eq3A_291, %broadcast_in_dim3A_293, %select_n3A_275 : vector<256x2048xi1>, vector<256x2048xf32>
    %reduce_min3A_295 = arith.constant dense<0x7F800000> : vector<256xf32>
    %reduce_min3A_296 = vector.multi_reduction <minimumf>, %select_n3A_294, %reduce_min3A_295 [1] : vector<256x2048xf32> to vector<256xf32>
    %broadcast_in_dim3A_297 = vector.shape_cast %reduce_min3A_296 : vector<256xf32> to vector<256x1xf32>
    %le3A_298 = vector.broadcast %broadcast_in_dim3A_297 : vector<256x1xf32> to vector<256x2048xf32>
    %le3A_299 = arith.cmpf ole, %select_n3A_294, %le3A_298 : vector<256x2048xf32>
    %jit3A_300 = arith.constant 2048 : i32
    %broadcast_in_dim3A_301 = vector.broadcast %jit3A_300 : i32 to vector<256x2048xi32>
    %select_n3A_302 = arith.select %le3A_299, %iota3A, %broadcast_in_dim3A_301 : vector<256x2048xi1>, vector<256x2048xi32>
    %reduce_min3A_303 = arith.constant dense<2147483647> : vector<256xi32>
    %reduce_min3A_304 = vector.multi_reduction <minsi>, %select_n3A_302, %reduce_min3A_303 [1] : vector<256x2048xi32> to vector<256xi32>
    %broadcast_in_dim3A_305 = vector.shape_cast %reduce_min3A_304 : vector<256xi32> to vector<256x1xi32>
    %swap3A_306 = arith.constant 0 : index
    %swap3A_307 = arith.constant 15 : index
    %swap3A_308 = vector.load %arg3[%swap3A_306, %swap3A_307] : memref<256x16xi32, #tpu.memory_space<vmem>>, vector<256x1xi32>
    tpu.vector_store %arg3[%swap3A_306, %swap3A_307], %broadcast_in_dim3A_305 {strides = array<i32>} : memref<256x16xi32, #tpu.memory_space<vmem>>, vector<256x1xi32>,
    return
  }
  func.func @transform_0(%arg0: i32) -> (i32, i32) {
    %c0_i32 = arith.constant 0 : i32
    %c0_i32_0 = arith.constant 0 : i32
    return %arg0, %c0_i32 : i32, i32
  }
  func.func @transform_1(%arg0: i32) -> (i32, i32) {
    %c0_i32 = arith.constant 0 : i32
    %c0_i32_0 = arith.constant 0 : i32
    %c0_i32_1 = arith.constant 0 : i32
    return %c0_i32, %c0_i32_0 : i32, i32
  }
  func.func @transform_2(%arg0: i32) -> (i32, i32) {
    %c0_i32 = arith.constant 0 : i32
    %c0_i32_0 = arith.constant 0 : i32
    return %arg0, %c0_i32 : i32, i32
  }
}

module attributes {stable_mosaic.version = 14 : i64} {
  func.func @_k0_body(%arg0: i32, %arg1: i32, %arg2: memref<1x2048x256xf32, #tpu.memory_space<vmem>>, %arg3: memref<1x2048x128xf32, #tpu.memory_space<vmem>>, %arg4: memref<256x256xf32, #tpu.memory_space<vmem>>, %arg5: memref<256x256xf32, #tpu.memory_space<vmem>>, %arg6: memref<1x2048x384xi32, #tpu.memory_space<vmem>>) attributes {dimension_semantics = [#tpu.dimension_semantics<arbitrary>, #tpu.dimension_semantics<arbitrary>], iteration_bounds = array<i64: 4, 1>, scalar_prefetch = 0 : i64, scratch_operands = 0 : i64, tpu.core_type = #tpu.core_type<tc>, window_params = [{transform_indices = @transform_0, window_bounds = array<i64: 1, 2048, 256>}, {transform_indices = @transform_1, window_bounds = array<i64: 1, 2048, 128>}, {pipeline_mode = #tpu.pipeline_mode<synchronous>, transform_indices = @transform_2, window_bounds = array<i64: 256, 256>}, {pipeline_mode = #tpu.pipeline_mode<synchronous>, transform_indices = @transform_3, window_bounds = array<i64: 256, 256>}, {transform_indices = @transform_4, window_bounds = array<i64: 1, 2048, 384>}]} {
    %get3A = arith.constant 0 : index
    %get3A_0 = arith.constant 0 : index
    %get3A_1 = arith.constant 0 : index
    %get3A_2 = vector.load %arg2[%get3A, %get3A_0, %get3A_1] : memref<1x2048x256xf32, #tpu.memory_space<vmem>>, vector<1x2048x256xf32>
    %get3A_3 = vector.shape_cast %get3A_2 : vector<1x2048x256xf32> to vector<2048x256xf32>
    %get3A_4 = arith.constant 0 : index
    %get3A_5 = arith.constant 0 : index
    %get3A_6 = vector.load %arg4[%get3A_4, %get3A_5] : memref<256x256xf32, #tpu.memory_space<vmem>>, vector<256x256xf32>
    %dot_general3A = arith.constant dense<0.000000e+00> : vector<2048x256xf32>
    %dot_general3A_7 = tpu.matmul %get3A_3, %get3A_6, %dot_general3A {dimension_numbers = #tpu.dot_dimension_numbers<[1], [0], [0], [1], [0, 0, 1, 1], [], []>, transpose_lhs_hint = false} : vector<2048x256xf32>, vector<256x256xf32>, vector<2048x256xf32> -> vector<2048x256xf32>
    %get3A_8 = arith.constant 0 : index
    %get3A_9 = arith.constant 0 : index
    %get3A_10 = vector.load %arg5[%get3A_8, %get3A_9] : memref<256x256xf32, #tpu.memory_space<vmem>>, vector<256x256xf32>
    %dot_general3A_11 = arith.constant dense<0.000000e+00> : vector<2048x256xf32>
    %dot_general3A_12 = tpu.matmul %get3A_3, %get3A_10, %dot_general3A_11 {dimension_numbers = #tpu.dot_dimension_numbers<[1], [0], [0], [1], [0, 0, 1, 1], [], []>, transpose_lhs_hint = false} : vector<2048x256xf32>, vector<256x256xf32>, vector<2048x256xf32> -> vector<2048x256xf32>
    %convert_element_type3A = arith.truncf %dot_general3A_7 : vector<2048x256xf32> to vector<2048x256xbf16>
    %convert_element_type3A_13 = arith.extf %convert_element_type3A : vector<2048x256xbf16> to vector<2048x256xf32>
    %bitcast_convert_type3A = tpu.bitcast %convert_element_type3A_13 : vector<2048x256xf32> -> vector<2048x256xi32>
    %shift_right_logical3A = arith.constant 16 : i32
    %shift_right_logical3A_14 = vector.broadcast %shift_right_logical3A : i32 to vector<2048x256xi32>
    %shift_right_logical3A_15 = arith.shrui %bitcast_convert_type3A, %shift_right_logical3A_14 : vector<2048x256xi32>
    %convert_element_type3A_16 = arith.truncf %dot_general3A_12 : vector<2048x256xf32> to vector<2048x256xbf16>
    %convert_element_type3A_17 = arith.extf %convert_element_type3A_16 : vector<2048x256xbf16> to vector<2048x256xf32>
    %bitcast_convert_type3A_18 = tpu.bitcast %convert_element_type3A_17 : vector<2048x256xf32> -> vector<2048x256xi32>
    %and3A = arith.constant -65536 : i32
    %and3A_19 = vector.broadcast %and3A : i32 to vector<2048x256xi32>
    %and3A_20 = arith.andi %bitcast_convert_type3A_18, %and3A_19 : vector<2048x256xi32>
    %or3A = arith.ori %and3A_20, %shift_right_logical3A_15 : vector<2048x256xi32>
    %swap3A = arith.constant 0 : index
    %swap3A_21 = arith.constant 0 : index
    %swap3A_22 = arith.constant 0 : index
    %swap3A_23 = vector.load %arg6[%swap3A, %swap3A_21, %swap3A_22] : memref<1x2048x384xi32, #tpu.memory_space<vmem>>, vector<1x2048x256xi32>
    %swap3A_24 = vector.shape_cast %swap3A_23 : vector<1x2048x256xi32> to vector<2048x256xi32>
    %swap3A_25 = vector.shape_cast %or3A : vector<2048x256xi32> to vector<1x2048x256xi32>
    tpu.vector_store %arg6[%swap3A, %swap3A_21, %swap3A_22], %swap3A_25 {strides = array<i32>} : memref<1x2048x384xi32, #tpu.memory_space<vmem>>, vector<1x2048x256xi32>,
    %get3A_26 = arith.constant 0 : index
    %get3A_27 = arith.constant 0 : index
    %get3A_28 = arith.constant 0 : index
    %get3A_29 = vector.load %arg3[%get3A_26, %get3A_27, %get3A_28] : memref<1x2048x128xf32, #tpu.memory_space<vmem>>, vector<1x2048x128xf32>
    %get3A_30 = vector.shape_cast %get3A_29 : vector<1x2048x128xf32> to vector<2048x128xf32>
    %bitcast_convert_type3A_31 = tpu.bitcast %get3A_30 : vector<2048x128xf32> -> vector<2048x128xi32>
    %swap3A_32 = arith.constant 0 : index
    %swap3A_33 = arith.constant 0 : index
    %swap3A_34 = arith.constant 256 : index
    %swap3A_35 = vector.load %arg6[%swap3A_32, %swap3A_33, %swap3A_34] : memref<1x2048x384xi32, #tpu.memory_space<vmem>>, vector<1x2048x128xi32>
    %swap3A_36 = vector.shape_cast %swap3A_35 : vector<1x2048x128xi32> to vector<2048x128xi32>
    %swap3A_37 = vector.shape_cast %bitcast_convert_type3A_31 : vector<2048x128xi32> to vector<1x2048x128xi32>
    tpu.vector_store %arg6[%swap3A_32, %swap3A_33, %swap3A_34], %swap3A_37 {strides = array<i32>} : memref<1x2048x384xi32, #tpu.memory_space<vmem>>, vector<1x2048x128xi32>,
    return
  }
  func.func @transform_0(%arg0: i32, %arg1: i32) -> (i32, i32, i32) {
    %c0_i32 = arith.constant 0 : i32
    %c0_i32_0 = arith.constant 0 : i32
    return %arg0, %arg1, %c0_i32 : i32, i32, i32
  }
  func.func @transform_1(%arg0: i32, %arg1: i32) -> (i32, i32, i32) {
    %c0_i32 = arith.constant 0 : i32
    %c0_i32_0 = arith.constant 0 : i32
    return %arg0, %arg1, %c0_i32 : i32, i32, i32
  }
  func.func @transform_2(%arg0: i32, %arg1: i32) -> (i32, i32) {
    %c0_i32 = arith.constant 0 : i32
    %c0_i32_0 = arith.constant 0 : i32
    %c0_i32_1 = arith.constant 0 : i32
    return %c0_i32, %c0_i32_0 : i32, i32
  }
  func.func @transform_3(%arg0: i32, %arg1: i32) -> (i32, i32) {
    %c0_i32 = arith.constant 0 : i32
    %c0_i32_0 = arith.constant 0 : i32
    %c0_i32_1 = arith.constant 0 : i32
    return %c0_i32, %c0_i32_0 : i32, i32
  }
  func.func @transform_4(%arg0: i32, %arg1: i32) -> (i32, i32, i32) {
    %c0_i32 = arith.constant 0 : i32
    %c0_i32_0 = arith.constant 0 : i32
    return %arg0, %arg1, %c0_i32 : i32, i32, i32
  }
}

module attributes {stable_mosaic.version = 14 : i64} {
  func.func @_k3_body(%arg0: i32, %arg1: memref<256x256xf32, #tpu.memory_space<vmem>>, %arg2: memref<256x128xf32, #tpu.memory_space<vmem>>, %arg3: memref<4096x384xi32, #tpu.memory_space<vmem>>, %arg4: memref<256x256xbf16, #tpu.memory_space<vmem>>, %arg5: memref<128x256xbf16, #tpu.memory_space<vmem>>, %arg6: memref<1x256xf32, #tpu.memory_space<vmem>>, %arg7: memref<256x256xbf16, #tpu.memory_space<vmem>>, %arg8: memref<1x256xf32, #tpu.memory_space<vmem>>, %arg9: memref<256x256xbf16, #tpu.memory_space<vmem>>, %arg10: memref<1x256xf32, #tpu.memory_space<vmem>>, %arg11: memref<256x256xbf16, #tpu.memory_space<vmem>>, %arg12: memref<1x256xf32, #tpu.memory_space<vmem>>, %arg13: memref<256x256xbf16, #tpu.memory_space<vmem>>, %arg14: memref<1x256xf32, #tpu.memory_space<vmem>>, %arg15: memref<256x256xf32, #tpu.memory_space<vmem>>) attributes {dimension_semantics = [#tpu.dimension_semantics<arbitrary>], iteration_bounds = array<i64: 8>, scalar_prefetch = 0 : i64, scratch_operands = 0 : i64, tpu.core_type = #tpu.core_type<tc>, window_params = [{transform_indices = @transform_0, window_bounds = array<i64: 256, 256>}, {transform_indices = @transform_1, window_bounds = array<i64: 256, 128>}, {transform_indices = @transform_2, window_bounds = array<i64: 4096, 384>}, {pipeline_mode = #tpu.pipeline_mode<synchronous>, transform_indices = @transform_3, window_bounds = array<i64: 256, 256>}, {pipeline_mode = #tpu.pipeline_mode<synchronous>, transform_indices = @transform_4, window_bounds = array<i64: 128, 256>}, {pipeline_mode = #tpu.pipeline_mode<synchronous>, transform_indices = @transform_5, window_bounds = array<i64: 1, 256>}, {pipeline_mode = #tpu.pipeline_mode<synchronous>, transform_indices = @transform_6, window_bounds = array<i64: 256, 256>}, {pipeline_mode = #tpu.pipeline_mode<synchronous>, transform_indices = @transform_7, window_bounds = array<i64: 1, 256>}, {pipeline_mode = #tpu.pipeline_mode<synchronous>, transform_indices = @transform_8, window_bounds = array<i64: 256, 256>}, {pipeline_mode = #tpu.pipeline_mode<synchronous>, transform_indices = @transform_9, window_bounds = array<i64: 1, 256>}, {pipeline_mode = #tpu.pipeline_mode<synchronous>, transform_indices = @transform_10, window_bounds = array<i64: 256, 256>}, {pipeline_mode = #tpu.pipeline_mode<synchronous>, transform_indices = @transform_11, window_bounds = array<i64: 1, 256>}, {pipeline_mode = #tpu.pipeline_mode<synchronous>, transform_indices = @transform_12, window_bounds = array<i64: 256, 256>}, {pipeline_mode = #tpu.pipeline_mode<synchronous>, transform_indices = @transform_13, window_bounds = array<i64: 1, 256>}, {transform_indices = @transform_14, window_bounds = array<i64: 256, 256>}]} {
    %get3A = arith.constant 0 : index
    %get3A_0 = arith.constant 0 : index
    %get3A_1 = vector.load %arg1[%get3A, %get3A_0] : memref<256x256xf32, #tpu.memory_space<vmem>>, vector<256x256xf32>
    %get3A_2 = arith.constant 0 : index
    %get3A_3 = arith.constant 0 : index
    %get3A_4 = vector.load %arg2[%get3A_2, %get3A_3] : memref<256x128xf32, #tpu.memory_space<vmem>>, vector<256x128xf32>
    %get3A_5 = arith.constant 0 : index
    %get3A_6 = arith.constant 0 : index
    %get3A_7 = vector.load %arg3[%get3A_5, %get3A_6] : memref<4096x384xi32, #tpu.memory_space<vmem>>, vector<4096x384xi32>
    %slice3A = vector.extract_strided_slice %get3A_7 {offsets = [0, 0], sizes = [4096, 256], strides = [1, 1]} : vector<4096x384xi32> to vector<4096x256xi32>
    %shift_left3A = arith.constant 16 : i32
    %shift_left3A_8 = vector.broadcast %shift_left3A : i32 to vector<4096x256xi32>
    %shift_left3A_9 = arith.shli %slice3A, %shift_left3A_8 : vector<4096x256xi32>
    %bitcast_convert_type3A = tpu.bitcast %shift_left3A_9 : vector<4096x256xi32> -> vector<4096x256xf32>
    %and3A = arith.constant -65536 : i32
    %and3A_10 = vector.broadcast %and3A : i32 to vector<4096x256xi32>
    %and3A_11 = arith.andi %slice3A, %and3A_10 : vector<4096x256xi32>
    %bitcast_convert_type3A_12 = tpu.bitcast %and3A_11 : vector<4096x256xi32> -> vector<4096x256xf32>
    %slice3A_13 = vector.extract_strided_slice %get3A_7 {offsets = [0, 256], sizes = [4096, 128], strides = [1, 1]} : vector<4096x384xi32> to vector<4096x128xi32>
    %bitcast_convert_type3A_14 = tpu.bitcast %slice3A_13 : vector<4096x128xi32> -> vector<4096x128xf32>
    %broadcast_in_dim3A = vector.shape_cast %get3A_4 : vector<256x128xf32> to vector<256x1x128xf32>
    %broadcast_in_dim3A_15 = vector.shape_cast %broadcast_in_dim3A : vector<256x1x128xf32> to vector<256x1x128xf32>
    %broadcast_in_dim3A_16 = vector.broadcast %broadcast_in_dim3A_15 : vector<256x1x128xf32> to vector<256x16x128xf32>
    %reshape3A = vector.shape_cast %broadcast_in_dim3A_16 : vector<256x16x128xf32> to vector<4096x128xf32>
    %sub3A = arith.subf %reshape3A, %bitcast_convert_type3A_14 : vector<4096x128xf32>
    %convert_element_type3A = arith.truncf %sub3A : vector<4096x128xf32> to vector<4096x128xbf16>
    %get3A_17 = arith.constant 0 : index
    %get3A_18 = arith.constant 0 : index
    %get3A_19 = vector.load %arg5[%get3A_17, %get3A_18] : memref<128x256xbf16, #tpu.memory_space<vmem>>, vector<128x256xbf16>
    %dot_general3A = arith.constant dense<0.000000e+00> : vector<4096x256xf32>
    %dot_general3A_20 = tpu.matmul %convert_element_type3A, %get3A_19, %dot_general3A {dimension_numbers = #tpu.dot_dimension_numbers<[1], [0], [0], [1], [0, 0, 1, 1], [], []>, transpose_lhs_hint = false} : vector<4096x128xbf16>, vector<128x256xbf16>, vector<4096x256xf32> -> vector<4096x256xf32>
    %get3A_21 = arith.constant 0 : index
    %get3A_22 = arith.constant 0 : index
    %get3A_23 = vector.load %arg6[%get3A_21, %get3A_22] : memref<1x256xf32, #tpu.memory_space<vmem>>, vector<1x256xf32>
    %add3A = vector.broadcast %get3A_23 : vector<1x256xf32> to vector<4096x256xf32>
    %add3A_24 = arith.addf %dot_general3A_20, %add3A : vector<4096x256xf32>
    %max3A = arith.constant 0.000000e+00 : f32
    %max3A_25 = vector.broadcast %max3A : f32 to vector<4096x256xf32>
    %max3A_26 = arith.maximumf %add3A_24, %max3A_25 : vector<4096x256xf32>
    %convert_element_type3A_27 = arith.truncf %max3A_26 : vector<4096x256xf32> to vector<4096x256xbf16>
    %get3A_28 = arith.constant 0 : index
    %get3A_29 = arith.constant 0 : index
    %get3A_30 = vector.load %arg7[%get3A_28, %get3A_29] : memref<256x256xbf16, #tpu.memory_space<vmem>>, vector<256x256xbf16>
    %dot_general3A_31 = arith.constant dense<0.000000e+00> : vector<4096x256xf32>
    %dot_general3A_32 = tpu.matmul %convert_element_type3A_27, %get3A_30, %dot_general3A_31 {dimension_numbers = #tpu.dot_dimension_numbers<[1], [0], [0], [1], [0, 0, 1, 1], [], []>, transpose_lhs_hint = false} : vector<4096x256xbf16>, vector<256x256xbf16>, vector<4096x256xf32> -> vector<4096x256xf32>
    %get3A_33 = arith.constant 0 : index
    %get3A_34 = arith.constant 0 : index
    %get3A_35 = vector.load %arg8[%get3A_33, %get3A_34] : memref<1x256xf32, #tpu.memory_space<vmem>>, vector<1x256xf32>
    %add3A_36 = vector.broadcast %get3A_35 : vector<1x256xf32> to vector<4096x256xf32>
    %add3A_37 = arith.addf %dot_general3A_32, %add3A_36 : vector<4096x256xf32>
    %convert_element_type3A_38 = arith.truncf %get3A_1 : vector<256x256xf32> to vector<256x256xbf16>
    %get3A_39 = arith.constant 0 : index
    %get3A_40 = arith.constant 0 : index
    %get3A_41 = vector.load %arg4[%get3A_39, %get3A_40] : memref<256x256xbf16, #tpu.memory_space<vmem>>, vector<256x256xbf16>
    %dot_general3A_42 = arith.constant dense<0.000000e+00> : vector<256x256xf32>
    %dot_general3A_43 = tpu.matmul %convert_element_type3A_38, %get3A_41, %dot_general3A_42 {dimension_numbers = #tpu.dot_dimension_numbers<[1], [0], [0], [1], [0, 0, 1, 1], [], []>, transpose_lhs_hint = false} : vector<256x256xbf16>, vector<256x256xbf16>, vector<256x256xf32> -> vector<256x256xf32>
    %broadcast_in_dim3A_44 = vector.shape_cast %dot_general3A_43 : vector<256x256xf32> to vector<256x1x256xf32>
    %broadcast_in_dim3A_45 = vector.shape_cast %broadcast_in_dim3A_44 : vector<256x1x256xf32> to vector<256x1x256xf32>
    %broadcast_in_dim3A_46 = vector.broadcast %broadcast_in_dim3A_45 : vector<256x1x256xf32> to vector<256x16x256xf32>
    %reshape3A_47 = vector.shape_cast %broadcast_in_dim3A_46 : vector<256x16x256xf32> to vector<4096x256xf32>
    %sub3A_48 = arith.subf %reshape3A_47, %bitcast_convert_type3A : vector<4096x256xf32>
    %add3A_49 = arith.addf %sub3A_48, %add3A_37 : vector<4096x256xf32>
    %convert_element_type3A_50 = arith.truncf %add3A_49 : vector<4096x256xf32> to vector<4096x256xbf16>
    %get3A_51 = arith.constant 0 : index
    %get3A_52 = arith.constant 0 : index
    %get3A_53 = vector.load %arg9[%get3A_51, %get3A_52] : memref<256x256xbf16, #tpu.memory_space<vmem>>, vector<256x256xbf16>
    %dot_general3A_54 = arith.constant dense<0.000000e+00> : vector<4096x256xf32>
    %dot_general3A_55 = tpu.matmul %convert_element_type3A_50, %get3A_53, %dot_general3A_54 {dimension_numbers = #tpu.dot_dimension_numbers<[1], [0], [0], [1], [0, 0, 1, 1], [], []>, transpose_lhs_hint = false} : vector<4096x256xbf16>, vector<256x256xbf16>, vector<4096x256xf32> -> vector<4096x256xf32>
    %get3A_56 = arith.constant 0 : index
    %get3A_57 = arith.constant 0 : index
    %get3A_58 = vector.load %arg10[%get3A_56, %get3A_57] : memref<1x256xf32, #tpu.memory_space<vmem>>, vector<1x256xf32>
    %add3A_59 = vector.broadcast %get3A_58 : vector<1x256xf32> to vector<4096x256xf32>
    %add3A_60 = arith.addf %dot_general3A_55, %add3A_59 : vector<4096x256xf32>
    %max3A_61 = arith.constant 0.000000e+00 : f32
    %max3A_62 = vector.broadcast %max3A_61 : f32 to vector<4096x256xf32>
    %max3A_63 = arith.maximumf %add3A_60, %max3A_62 : vector<4096x256xf32>
    %convert_element_type3A_64 = arith.truncf %max3A_63 : vector<4096x256xf32> to vector<4096x256xbf16>
    %get3A_65 = arith.constant 0 : index
    %get3A_66 = arith.constant 0 : index
    %get3A_67 = vector.load %arg11[%get3A_65, %get3A_66] : memref<256x256xbf16, #tpu.memory_space<vmem>>, vector<256x256xbf16>
    %dot_general3A_68 = arith.constant dense<0.000000e+00> : vector<4096x256xf32>
    %dot_general3A_69 = tpu.matmul %convert_element_type3A_64, %get3A_67, %dot_general3A_68 {dimension_numbers = #tpu.dot_dimension_numbers<[1], [0], [0], [1], [0, 0, 1, 1], [], []>, transpose_lhs_hint = false} : vector<4096x256xbf16>, vector<256x256xbf16>, vector<4096x256xf32> -> vector<4096x256xf32>
    %get3A_70 = arith.constant 0 : index
    %get3A_71 = arith.constant 0 : index
    %get3A_72 = vector.load %arg12[%get3A_70, %get3A_71] : memref<1x256xf32, #tpu.memory_space<vmem>>, vector<1x256xf32>
    %add3A_73 = vector.broadcast %get3A_72 : vector<1x256xf32> to vector<4096x256xf32>
    %add3A_74 = arith.addf %dot_general3A_69, %add3A_73 : vector<4096x256xf32>
    %reshape3A_75 = vector.shape_cast %add3A_74 : vector<4096x256xf32> to vector<256x16x256xf32>
    %mul3A = arith.constant 6.250000e-02 : f32
    %mul3A_76 = vector.broadcast %mul3A : f32 to vector<256x16x256xf32>
    %mul3A_77 = arith.mulf %reshape3A_75, %mul3A_76 : vector<256x16x256xf32>
    %reduce_max3A = arith.constant dense<0xFF800000> : vector<256x256xf32>
    %reduce_max3A_78 = vector.multi_reduction <maximumf>, %mul3A_77, %reduce_max3A [1] : vector<256x16x256xf32> to vector<256x256xf32>
    %broadcast_in_dim3A_79 = vector.shape_cast %reduce_max3A_78 : vector<256x256xf32> to vector<256x1x256xf32>
    %sub3A_80 = vector.broadcast %broadcast_in_dim3A_79 : vector<256x1x256xf32> to vector<256x16x256xf32>
    %sub3A_81 = arith.subf %mul3A_77, %sub3A_80 : vector<256x16x256xf32>
    %exp3A = math.exp %sub3A_81 : vector<256x16x256xf32>
    %reduce_sum3A = arith.constant dense<0.000000e+00> : vector<256x256xf32>
    %reduce_sum3A_82 = vector.multi_reduction <add>, %exp3A, %reduce_sum3A [1] : vector<256x16x256xf32> to vector<256x256xf32>
    %broadcast_in_dim3A_83 = vector.shape_cast %reduce_sum3A_82 : vector<256x256xf32> to vector<256x1x256xf32>
    %div3A = vector.broadcast %broadcast_in_dim3A_83 : vector<256x1x256xf32> to vector<256x16x256xf32>
    %div3A_84 = arith.divf %exp3A, %div3A : vector<256x16x256xf32>
    %add3A_85 = arith.addf %bitcast_convert_type3A_12, %add3A_37 : vector<4096x256xf32>
    %reshape3A_86 = vector.shape_cast %add3A_85 : vector<4096x256xf32> to vector<256x16x256xf32>
    %mul3A_87 = arith.mulf %div3A_84, %reshape3A_86 : vector<256x16x256xf32>
    %reduce_sum3A_88 = arith.constant dense<0.000000e+00> : vector<256x256xf32>
    %reduce_sum3A_89 = vector.multi_reduction <add>, %mul3A_87, %reduce_sum3A_88 [1] : vector<256x16x256xf32> to vector<256x256xf32>
    %convert_element_type3A_90 = arith.truncf %reduce_sum3A_89 : vector<256x256xf32> to vector<256x256xbf16>
    %get3A_91 = arith.constant 0 : index
    %get3A_92 = arith.constant 0 : index
    %get3A_93 = vector.load %arg13[%get3A_91, %get3A_92] : memref<256x256xbf16, #tpu.memory_space<vmem>>, vector<256x256xbf16>
    %dot_general3A_94 = arith.constant dense<0.000000e+00> : vector<256x256xf32>
    %dot_general3A_95 = tpu.matmul %convert_element_type3A_90, %get3A_93, %dot_general3A_94 {dimension_numbers = #tpu.dot_dimension_numbers<[1], [0], [0], [1], [0, 0, 1, 1], [], []>, transpose_lhs_hint = false} : vector<256x256xbf16>, vector<256x256xbf16>, vector<256x256xf32> -> vector<256x256xf32>
    %get3A_96 = arith.constant 0 : index
    %get3A_97 = arith.constant 0 : index
    %get3A_98 = vector.load %arg14[%get3A_96, %get3A_97] : memref<1x256xf32, #tpu.memory_space<vmem>>, vector<1x256xf32>
    %add3A_99 = vector.broadcast %get3A_98 : vector<1x256xf32> to vector<256x256xf32>
    %add3A_100 = arith.addf %dot_general3A_95, %add3A_99 : vector<256x256xf32>
    %add3A_101 = arith.addf %add3A_100, %get3A_1 : vector<256x256xf32>
    %swap3A = arith.constant 0 : index
    %swap3A_102 = arith.constant 0 : index
    %swap3A_103 = vector.load %arg15[%swap3A, %swap3A_102] : memref<256x256xf32, #tpu.memory_space<vmem>>, vector<256x256xf32>
    tpu.vector_store %arg15[%swap3A, %swap3A_102], %add3A_101 {strides = array<i32>} : memref<256x256xf32, #tpu.memory_space<vmem>>, vector<256x256xf32>,
    return
  }
  func.func @transform_0(%arg0: i32) -> (i32, i32) {
    %c0_i32 = arith.constant 0 : i32
    %c0_i32_0 = arith.constant 0 : i32
    return %arg0, %c0_i32 : i32, i32
  }
  func.func @transform_1(%arg0: i32) -> (i32, i32) {
    %c0_i32 = arith.constant 0 : i32
    %c0_i32_0 = arith.constant 0 : i32
    return %arg0, %c0_i32 : i32, i32
  }
  func.func @transform_2(%arg0: i32) -> (i32, i32) {
    %c0_i32 = arith.constant 0 : i32
    %c0_i32_0 = arith.constant 0 : i32
    return %arg0, %c0_i32 : i32, i32
  }
  func.func @transform_3(%arg0: i32) -> (i32, i32) {
    %c0_i32 = arith.constant 0 : i32
    %c0_i32_0 = arith.constant 0 : i32
    %c0_i32_1 = arith.constant 0 : i32
    return %c0_i32, %c0_i32_0 : i32, i32
  }
  func.func @transform_4(%arg0: i32) -> (i32, i32) {
    %c0_i32 = arith.constant 0 : i32
    %c0_i32_0 = arith.constant 0 : i32
    %c0_i32_1 = arith.constant 0 : i32
    return %c0_i32, %c0_i32_0 : i32, i32
  }
  func.func @transform_5(%arg0: i32) -> (i32, i32) {
    %c0_i32 = arith.constant 0 : i32
    %c0_i32_0 = arith.constant 0 : i32
    %c0_i32_1 = arith.constant 0 : i32
    return %c0_i32, %c0_i32_0 : i32, i32
  }
  func.func @transform_6(%arg0: i32) -> (i32, i32) {
    %c0_i32 = arith.constant 0 : i32
    %c0_i32_0 = arith.constant 0 : i32
    %c0_i32_1 = arith.constant 0 : i32
    return %c0_i32, %c0_i32_0 : i32, i32
  }
  func.func @transform_7(%arg0: i32) -> (i32, i32) {
    %c0_i32 = arith.constant 0 : i32
    %c0_i32_0 = arith.constant 0 : i32
    %c0_i32_1 = arith.constant 0 : i32
    return %c0_i32, %c0_i32_0 : i32, i32
  }
  func.func @transform_8(%arg0: i32) -> (i32, i32) {
    %c0_i32 = arith.constant 0 : i32
    %c0_i32_0 = arith.constant 0 : i32
    %c0_i32_1 = arith.constant 0 : i32
    return %c0_i32, %c0_i32_0 : i32, i32
  }
  func.func @transform_9(%arg0: i32) -> (i32, i32) {
    %c0_i32 = arith.constant 0 : i32
    %c0_i32_0 = arith.constant 0 : i32
    %c0_i32_1 = arith.constant 0 : i32
    return %c0_i32, %c0_i32_0 : i32, i32
  }
  func.func @transform_10(%arg0: i32) -> (i32, i32) {
    %c0_i32 = arith.constant 0 : i32
    %c0_i32_0 = arith.constant 0 : i32
    %c0_i32_1 = arith.constant 0 : i32
    return %c0_i32, %c0_i32_0 : i32, i32
  }
  func.func @transform_11(%arg0: i32) -> (i32, i32) {
    %c0_i32 = arith.constant 0 : i32
    %c0_i32_0 = arith.constant 0 : i32
    %c0_i32_1 = arith.constant 0 : i32
    return %c0_i32, %c0_i32_0 : i32, i32
  }
  func.func @transform_12(%arg0: i32) -> (i32, i32) {
    %c0_i32 = arith.constant 0 : i32
    %c0_i32_0 = arith.constant 0 : i32
    %c0_i32_1 = arith.constant 0 : i32
    return %c0_i32, %c0_i32_0 : i32, i32
  }
  func.func @transform_13(%arg0: i32) -> (i32, i32) {
    %c0_i32 = arith.constant 0 : i32
    %c0_i32_0 = arith.constant 0 : i32
    %c0_i32_1 = arith.constant 0 : i32
    return %c0_i32, %c0_i32_0 : i32, i32
  }
  func.func @transform_14(%arg0: i32) -> (i32, i32) {
    %c0_i32 = arith.constant 0 : i32
    %c0_i32_0 = arith.constant 0 : i32
    return %arg0, %c0_i32 : i32, i32
  }
}

</mosaic_0001>

<sc_bundles>
// kernel: kernel.15.cloned.1.call-start
scs
__scs_entry_jumppad:
0x0: {  	(pc) =	sbr.rel $0x88, $3  }
0x1: {  	(tag) =	ssettag $0x0;
	lr =	simm.s32 $0x1  }
0x2: {  	[smem:$0x3F92] =	sst lr;
	_ =	strace $0xD0000000  }
0x3: {  	_ = 	snop  }
0x4: {  	_ = 	snop  }
0x5: {  	_ = 	snop  }
0x6: {  	_ = 	snop  }
0x7: {  	_ = 	snop  }
__scs_overlays_trampoline_lowered:
0x8: {  	[smem:$0x3FA1] =	sst s0  }
0x9: {  	[smem:$0x3FA2] =	sst s1  }
0xa: {  	[smem:$0x3FA3] =	sst s2  }
0xb: {  	[smem:$0x3FA4] =	sst s3  }
0xc: {  	[smem:$0x3FA5] =	sst s4  }
0xd: {  	[smem:$0x3FA6] =	sst s5  }
0xe: {  	[smem:$0x3FA7] =	sst s6  }
0xf: {  	[smem:$0x3FA8] =	sst s7  }
0x10: {  	[smem:$0x3FA9] =	sst s8  }
0x11: {  	[smem:$0x3FAA] =	sst s9;
	s0 =	simm.s32 @!p0 $0x0  }
0x12: {  	s1 =	sld [smem:$0x3F90];
	s0 =	simm.s32 @p0 $0x1  }
0x13: {  	[smem:$0x3FAB] =	sst s0;
	s0 =	simm.s32 @!p1 $0x0  }
0x14: {  	s2 =	sld [smem:$0x3F8F];
	s0 =	simm.s32 @p1 $0x1  }
0x15: {  	[smem:$0x3FAC] =	sst s0;
	s0 =	simm.s32 @!p2 $0x0  }
0x16: {  	s3 =	sld [smem:$0x3FDB];
	s0 =	simm.s32 @p2 $0x1  }
0x17: {  	s4 =	simm.s32 $0x1BF5;
	[smem:$0x3FAE] =	sst s0  }
0x18: {  	s0 =	sld [smem:$0x3F91];
	_ =	swait.ge [sflag:s4], $0x0  }
0x19: {  	s7 =	sld [smem:$0x3F92]  }
0x1a: {  	s8 =	sadd.s32 $0xFFFFE003, lr  }
0x1b: {  	s9 =	sadd.s32 $0xFFFFFEF7, lr;
	s5 =	simm.s32 $0xFFFFFFFF;
	p2 =	slt.u32 s8, $0xFFFFF086  }
0x1c: {  	p1 =	slt.u32 s9, $0xF7A;
	s5 =	simm.s32 @!p2 $0x0  }
0x1d: {  	s5 =	simm.s32 @p1 $0x1;
	p0 =	seq.s32 s7, s2  }
0x1e: {  	s7 =	smul.u32 @!p0 $0xF7A, s2;
	p2 =	seq.s32 @!p0 s5, $0x0  }
0x1f: {  	s9 =	smul.u32 $0xF7A, s1;
	s8 =	simm.s32 @!p0 $0x1BF5;
	p2 =	por !p2, p0  }
0x20: {  	[sflag:s8] =	ssyncset.s32 @!p0 $0xFFFFF086;
	s6 =	sadd.s32 @!p0 s3, s7;
	s7 =	simm.s32 @!p0 $0x108  }
0x21: {  	s3 =	sadd.s32 s3, s9;
	s6 =	sadd.s32 @!p0 $0x88, s6;
	s7 =	simm.s32 @p2 $0x1082  }
0x22: {  	[simem:s7], [sflag:s8] =	dma.local @!p0 [hbm:s6], $0xF7A  }
0x23: {  	s9 =	sor.u32 $0xD0000000, s2;
	s6 =	simm.s32 $0x108;
	_ =	swait.ge @!p0 [sflag:s8], $0x0  }
0x24: {  	s3 =	sadd.s32 $0x88, s3;
	s6 =	simm.s32 @!p1 $0x1082;
	[sflag:s4] =	ssyncset.s32 $0xFFFFF086  }
0x25: {  	[simem:s6], [sflag:s4] =	dma.local [hbm:s3], $0xF7A  }
0x26: {  	[smem:$0x3F92] =	sst s1;
	(tag) =	ssettag s2;
	_ =	strace s9  }
0x27: {  	s1 =	sld [smem:$0x3FA2]  }
0x28: {  	s2 =	sld [smem:$0x3FA3]  }
0x29: {  	s4 =	sld [smem:$0x3FA5]  }
0x2a: {  	p0 =	seq.s32 s5, $0x0;
	s5 =	sld [smem:$0x3FA6]  }
0x2b: {  	s6 =	sld [smem:$0x3FA7]  }
0x2c: {  	s7 =	sld [smem:$0x3FA8]  }
0x2d: {  	s3 =	simm.s32 $0x108;
	s8 =	sld [smem:$0x3FA9]  }
0x2e: {  	s3 =	simm.s32 @!p0 $0x1082;
	s9 =	sld [smem:$0x3FAA]  }
0x2f: {  	lr =	sadd.s32 s0, s3;
	s0 =	sld [smem:$0x3FA1]  }
0x30: {  	s3 =	sld [smem:$0x3FA4]  }
0x31: {  	[smem:$0x3FAD] =	sst s10  }
0x32: {  	s10 =	sld [smem:$0x3FAB];
	_ =	sdelay $0x3  }
0x33: {  	p0 =	seq.s32 s10, $0x1;
	s10 =	sld [smem:$0x3FAD];
	_ =	sdelay $0x3  }
0x34: {  	[smem:$0x3FAD] =	sst s10  }
0x35: {  	s10 =	sld [smem:$0x3FAC];
	_ =	sdelay $0x3  }
0x36: {  	p1 =	seq.s32 s10, $0x1;
	s10 =	sld [smem:$0x3FAD];
	_ =	sdelay $0x3  }
0x37: {  	[smem:$0x3FAD] =	sst s10  }
0x38: {  	s10 =	sld [smem:$0x3FAE]  }
0x39: {  	_ = 	snop;
	(pc) =	sbr.ind lr, $3  }
0x3a: {  	_ = 	snop  }
0x3b: {  	_ = 	snop  }
0x3c: {  	p2 =	seq.s32 s10, $0x1;
	s10 =	sld [smem:$0x3FAD]  }
0x3d: {  	_ =	shalt  }
0x3e: {  	_ =	shalt  }
0x3f: {  	_ =	shalt  }
0x40: {  	_ =	shalt  }
0x41: {  	_ =	shalt  }
0x42: {  	_ =	shalt  }
0x43: {  	_ =	shalt  }
0x44: {  	_ =	shalt  }
0x45: {  	_ =	shalt  }
0x46: {  	_ =	shalt  }
0x47: {  	_ =	shalt  }
0x48: {  	_ =	shalt  }
0x49: {  	_ =	shalt  }
0x4a: {  	_ =	shalt  }
0x4b: {  	_ =	shalt  }
0x4c: {  	_ =	shalt  }
0x4d: {  	_ =	shalt  }
0x4e: {  	_ =	shalt  }
0x4f: {  	_ =	shalt  }
0x50: {  	_ =	shalt  }
0x51: {  	_ =	shalt  }
0x52: {  	_ =	shalt  }
0x53: {  	_ =	shalt  }
0x54: {  	_ =	shalt  }
0x55: {  	_ =	shalt  }
0x56: {  	_ =	shalt  }
0x57: {  	_ =	shalt  }
0x58: {  	_ =	shalt  }
0x59: {  	_ =	shalt  }
0x5a: {  	_ =	shalt  }
0x5b: {  	_ =	shalt  }
0x5c: {  	_ =	shalt  }
0x5d: {  	_ =	shalt  }
0x5e: {  	_ =	shalt  }
0x5f: {  	_ =	shalt  }
0x60: {  	_ =	shalt  }
0x61: {  	_ =	shalt  }
0x62: {  	_ =	shalt  }
0x63: {  	_ =	shalt  }
0x64: {  	_ =	shalt  }
0x65: {  	_ =	shalt  }
0x66: {  	_ =	shalt  }
0x67: {  	_ =	shalt  }
0x68: {  	_ =	shalt  }
0x69: {  	_ =	shalt  }
0x6a: {  	_ =	shalt  }
0x6b: {  	_ =	shalt  }
0x6c: {  	_ =	shalt  }
0x6d: {  	_ =	shalt  }
0x6e: {  	_ =	shalt  }
0x6f: {  	_ =	shalt  }
0x70: {  	_ =	shalt  }
0x71: {  	_ =	shalt  }
0x72: {  	_ =	shalt  }
0x73: {  	_ =	shalt  }
0x74: {  	_ =	shalt  }
0x75: {  	_ =	shalt  }
0x76: {  	_ =	shalt  }
0x77: {  	_ =	shalt  }
0x78: {  	_ =	shalt  }
0x79: {  	_ =	shalt  }
0x7a: {  	_ =	shalt  }
0x7b: {  	_ =	shalt  }
0x7c: {  	_ =	shalt  }
0x7d: {  	_ =	shalt  }
0x7e: {  	_ =	shalt  }
0x7f: {  	_ =	shalt  }
0x80: {  	_ =	shalt  }
0x81: {  	_ =	shalt  }
0x82: {  	_ =	shalt  }
0x83: {  	_ =	shalt  }
0x84: {  	_ =	shalt  }
0x85: {  	_ =	shalt  }
0x86: {  	_ =	shalt  }
0x87: {  	_ =	shalt  }
.Lfunc_end0:
.L_simem_size_0:
called_computation_lowered:
.L_overlay_start_0:
0x88: {  	s2 =	sld [smem:$0x3FD9]  }
0x89: {  	s3 =	sld [smem:$0x3FFE];
	_ =	sdelay $0x1  }
0x8a: {  	s1 =	srdreg.scid  }
0x8b: {  	s0 =	sand.u32 $0x1, s1  }
0x8c: {  	s16 =	sshll.u32 s0, $0xA;
	s2 =	sadd.s32 s3, s2  }
0x8d: {  	s2 =	sadd.s32 s2, s16  }
0x8e: {  	[smem:$0x3FB9] =	sst s2  }
0x8f: {  	_ = 	snop  }
0x90: {  	(tm) =	ssettm $0x1  }
0x91: {  	s17 =	sld [smem:$0x3FFB];
	_ =	sdelay $0x3  }
0x92: {  	_ =	strace s17  }
0x93: {  	s2 =	sld [smem:$0x3FFC];
	_ =	sdelay $0x3  }
0x94: {  	_ =	strace s2  }
0x95: {  	s2 =	sld [smem:$0x3FFD];
	_ =	sdelay $0x3  }
0x96: {  	_ =	strace s2  }
0x97: {  	_ =	strace $0x8FFFFFFF  }
0x98: {  	s18 =	sld [smem:$0x3FDB];
	_ =	sdelay $0x1  }
0x99: {  	s19 =	simm.s32 $_scs_section_size  }
0x9a: {  	s4 =	simm.s32 $_size__tile_overlayer_lowered;
	s5 =	simm.s32 $_tile_overlayer_lowered  }
0x9b: {  	s22 =	simm.s32 $0x1BFF;
	s21 =	sshll.u32 s5, $0x1;
	s2 =	sadd.s32 s19, s18  }
0x9c: {  	s6 =	simm.s32 $0x0;
	s20 =	sshll.u32 s4, $0x1;
	s4 =	sadd.s32 s21, s2  }
0x9d: {  	[timem:s6], [sflag:s22] =	dma.local [hbm:s4], s20  }
0x9e: {  	_ =	swait.ge [sflag:s22], s20  }
0x9f: {  	s3 =	ssub.s32 $0x0, s20;
	[sflag:s22] =	ssyncset.done $0x0  }
0xa0: {  	[sflag:s22] =	ssyncadd.s32 s3;
	_ =	sdelay $0x1  }
0xa1: {  	s23 =	simm.s32 $0x1B8B  }
0xa2: {  	_ =	swait.ge [sflag:s23], $0x1  }
0xa3: {  	[sflag:s23] =	ssyncset.done $0x0  }
0xa4: {  	s25 =	simm.s32 $0x1B8E;
	s24 =	sld [smem:$0x3FFE];
	[sflag:s23] =	ssyncadd.s32 $0xFFFFFFFF  }
0xa5: {  	s26 =	simm.s32 $execute0_lowered;
	[smem:$0x3FD2] =	sst s25  }
0xa6: {  	s4 =	sshll.u32 s26, $0x1;
	_ =	strace $0x80000046;
	[dreg:$0x1] =	wrdreg $0xFFFFFFFF  }
0xa7: {  	s28 =	simm.s32 $_size_execute0_lowered;
	s2 =	sadd.s32 s2, s4;
	[dreg:$0x0] =	wrdreg $0x0  }
0xa8: {  	s4 =	sshll.u32 s28, $0x1;
	[dreg:$0x2] =	wrdreg s2  }
0xa9: {  	[dreg:$0x3] =	wrdreg s4  }
0xaa: {  	[dreg:$0x4] =	wrdreg $0xC0  }
0xab: {  	_ =	task [dreg:s6], $0x5FFFF  }
0xac: {  	[dreg:$0x1] =	wrdreg $0xFFFFFFFF  }
0xad: {  	[dreg:$0x0] =	wrdreg $0x60  }
0xae: {  	[dreg:$0x2] =	wrdreg s24  }
0xaf: {  	[dreg:$0x3] =	wrdreg $0x9  }
0xb0: {  	_ =	task.clear_ibuf [dreg:s6], $0x4FFFF;
	_ =	strace $0x90000046  }
0xb1: {  	s29 =	simm.s32 $0x9;
	_ =	strace $0x80000048  }
0xb2: {  	_ =	swait.ge [sflag:s29], $0x1  }
0xb3: {  	[sflag:s29] =	ssyncadd.s32 $0xFFFFFFFF  }
0xb4: {  	_ =	strace $0x90000048  }
0xb5: {  	_ =	sfence  }
0xb6: {  	s30 =	sld [smem:$0x0];
	_ =	sdelay $0x2  }
0xb7: {  	s31 =	sshll.u32 s1, $0xD;
	s1 =	sshrl.u32 s1, $0x2  }
0xb8: {  	s3 =	sand.u32 $0x4000, s31;
	s1 =	sadd.s32 s1, s30  }
0xb9: {  	s0 =	sor.u32 s3, s0;
	s1 =	sshll.u32 s1, $0x11  }
0xba: {  	s0 =	sor.u32 s1, s0  }
0xbb: {  	s0 =	sadd.s32 $0x8F2B, s0  }
0xbc: {  	[sflag:s0] =	ssyncadd.remote.s32 $0x1  }
0xbd: {  	_ =	sfence.sel $0xFFFF  }
0xbe: {  	[dreg:$0x0] =	wrdreg $0xFFFFFFFF;
	(pc) =	sbr.abs _section_cstart, $3  }
0xbf: {  	[dreg:$0x1] =	wrdreg $0xFFFFFFFF  }
0xc0: {  	_ =	task.clear_ibuf [dreg:s6], $0x2FFFF;
	_ =	strace $0x9FFFFFFF  }
0xc1: {  	(tm) =	ssettm $0x7FFFFFFF  }
tec
execute0_lowered:
.L_overlay_start_1:
0x0: {  	(tag) =	ssettag $0x1  }
0x1: {  	s0 =	rddreg [dreg:$0x0]  }
0x2: {  	s5 =	stileid.u32;
	s1 =	srdreg.scid  }
0x3: {  	s2 =	simm.s32 $0x0;
	s14 =	simm.s32 $0x880;
	s15 =	simm.s32 $0xC80  }
0x4: {  	s17 =	simm.s32 $0x1480;
	s18 =	simm.s32 $0x1880;
	s19 =	simm.s32 $0x2080  }
0x5: {  	s20 =	simm.s32 $0x2480;
	s21 =	simm.s32 $0x2C80;
	[smem:$0x7FF] =	sst s2  }
0x6: {  	s22 =	simm.s32 $0x3080;
	_ =	strace $0x80000047;
	[dreg:$0x3] =	wrdreg s14  }
0x7: {  	s23 =	simm.s32 $0x3880;
	s25 =	simm.s32 $0x3C80;
	[dreg:$0x4] =	wrdreg s15  }
0x8: {  	s26 =	simm.s32 $0x4480;
	s8 =	simm.s32 $0x80;
	[dreg:$0x5] =	wrdreg s17  }
0x9: {  	s9 =	simm.s32 $0x4880;
	s10 =	simm.s32 $0x5080;
	[dreg:$0x6] =	wrdreg s18  }
0xa: {  	s11 =	simm.s32 $0x5480;
	s28 =	simm.s32 $0xB480;
	[dreg:$0x7] =	wrdreg s19  }
0xb: {  	s29 =	simm.s32 $0xBC80;
	s30 =	simm.s32 $0x1;
	[dreg:$0x8] =	wrdreg s20  }
0xc: {  	s31 =	simm.s32 $0x0;
	s3 =	sshll.u32 s5, $0x8;
	[dreg:$0x9] =	wrdreg s21  }
0xd: {  	s1 =	sand.u32 $0x1, s1;
	s12 =	smul.u32 $0x18000, s5;
	[dreg:$0xa] =	wrdreg s22  }
0xe: {  	s3 =	sadd.s32 s3, s0;
	s4 =	sshll.u32 s1, $0x7;
	[dreg:$0xb] =	wrdreg s23  }
0xf: {  	s16 =	ssub.s32 $0x2, s1;
	s1 =	smul.u32 $0xC000, s1;
	[dreg:$0xc] =	wrdreg s25  }
0x10: {  	[dreg:$0xd] =	wrdreg s26;
	s14 =	simm.s32 $0x6880;
	s15 =	simm.s32 $0x6C80  }
0x11: {  	s17 =	simm.s32 $0x7880;
	s18 =	simm.s32 $0x8080;
	s19 =	simm.s32 $0x8480  }
0x12: {  	s20 =	simm.s32 $0x8C80;
	s21 =	simm.s32 $0x9080;
	s22 =	simm.s32 $0x9880  }
0x13: {  	s23 =	simm.s32 $0x9C80;
	s25 =	simm.s32 $0xA880;
	s26 =	simm.s32 $0xB080  }
0x14: {  	s3 =	sadd.s32 s4, s3;
	s6 =	sadd.s32 s12, s0;
	s7 =	sshrl.u32 s16, $0x1  }
0x15: {  	s4 =	sadd.s32 $0x1DD00, s0;
	s12 =	simm.s32 $0x5C80;
	s13 =	sadd.s32 $0x1CC00, s3  }
0x16: {  	s3 =	sadd.s32 $0x1DC00, s0;
	s5 =	ssub.s32 s16, s7;
	s1 =	sadd.s32 s1, s6  }
0x17: {  	v2 =	vlaneseq.u32;
	s7 =	simm.s32 $0x2;
	[dreg:$0x2] =	wrdreg s13;
	s5 =	smax.u32 s5, $0x1  }
0x18: {  	vm0 =	vmmov $0xffff;
	vm1 =	vmmov $0xff;
	v1 =	vshrl.u32 v2, $0x3;
	s16 =	simm.s32 $0x7480;
	s24 =	sadd.s32 $0x7DC00, s1;
	[dreg:$0xe] =	wrdreg s5  }
0x19: {  	v0 =	vand.u32 $0x7, v2;
	v2 =	vor.u32 $0x8, v2;
	v1 =	vmul.u32 $0x8, v1;
	s13 =	simm.s32 $0x6080;
	[dreg:$0xf] =	wrdreg s24;
	s24 =	simm.s32 $0xA480  }
.LBB2_1:
0x1a: {  	s6 =	rddreg [dreg:$0xf];
	s1 =	simm.s32 $0x0  }
.LBB2_2:
0x1b: {  	s5 =	rddreg [dreg:$0x2]  }
0x1c: {  	s5 =	sadd.s32 s1, s5  }
0x1d: {  	[tilespmem:s2], [sflag:$0x2] =	stream.linear.gather [hbm4b:s5+s2], $0x80, $0x38;
	[tilespmem:$0xC080] =	vst v63  }
0x1e: {  	_ =	swait.ge [sflag:s7], $0x80  }
0x1f: {  	[sflag:s7] =	ssyncset.done $0x0  }
0x20: {  	[sflag:s7] =	ssyncadd.s32 $0xFFFFFF80  }
0x21: {  	v3 =	vld [tilespmem:$0x0];
	_ =	sdelay $0x4  }
0x22: {  	v4 =	vshrl.u32 v3, $0x3  }
0x23: {  	v4 =	vmul.u32 $0x18, v4  }
0x24: {  	v3 =	vand.u32 $0x7, v3  }
0x25: {  	v3 =	vor.u32 v3, v4  }
0x26: {  	v4 =	vperm.xlane v3, v0;
	_ =	sdelay $0x1  }
0x27: {  	v4 =	vadd.s32 v1, v4;
	_ =	sdelay $0x1  }
0x28: {  	v3 =	vperm.xlane v3, v2;
	_ =	sdelay $0x1  }
0x29: {  	v3 =	vadd.s32 v1, v3  }
0x2a: {  	[tilespmem:s8], [sflag:$0x1] =	stream.indirect_vreg.gather [hbm4b:s3+s2], $0x80, v4, vm0, $0xb8;
	[tilespmem:$0xC080] =	vst v63  }
0x2b: {  	s5 =	rddreg [dreg:$0x3]  }
0x2c: {  	[tilespmem:s5], [sflag:$0x1] =	stream.indirect_vreg.gather [hbm4b:s4+s2], $0x80, v4, vm1, $0xb8;
	[tilespmem:$0xC080] =	vst v63  }
0x2d: {  	s0 =	rddreg [dreg:$0x4]  }
0x2e: {  	[tilespmem:s0], [sflag:$0x1] =	stream.indirect_vreg.gather [hbm4b:s3+s2], $0x80, v3, vm0, $0xb8;
	[tilespmem:$0xC080] =	vst v63  }
0x2f: {  	s5 =	rddreg [dreg:$0x5]  }
0x30: {  	[tilespmem:s5], [sflag:$0x1] =	stream.indirect_vreg.gather [hbm4b:s4+s2], $0x80, v3, vm1, $0xb8;
	[tilespmem:$0xC080] =	vst v63  }
0x31: {  	v3 =	vld [tilespmem:$0x10];
	_ =	sdelay $0x4  }
0x32: {  	v57 =	vshrl.u32 v3, $0x3  }
0x33: {  	v4 =	vmul.u32 $0x18, v57  }
0x34: {  	v3 =	vand.u32 $0x7, v3  }
0x35: {  	v3 =	vor.u32 v3, v4  }
0x36: {  	v4 =	vperm.xlane v3, v0;
	_ =	sdelay $0x1  }
0x37: {  	v4 =	vadd.s32 v1, v4;
	_ =	sdelay $0x1  }
0x38: {  	v3 =	vperm.xlane v3, v2;
	_ =	sdelay $0x1  }
0x39: {  	s0 =	rddreg [dreg:$0x6];
	v3 =	vadd.s32 v1, v3  }
0x3a: {  	[tilespmem:s0], [sflag:$0x1] =	stream.indirect_vreg.gather [hbm4b:s3+s2], $0x80, v4, vm0, $0xb8;
	[tilespmem:$0xC080] =	vst v63  }
0x3b: {  	s5 =	rddreg [dreg:$0x7]  }
0x3c: {  	[tilespmem:s5], [sflag:$0x1] =	stream.indirect_vreg.gather [hbm4b:s4+s2], $0x80, v4, vm1, $0xb8;
	[tilespmem:$0xC080] =	vst v63  }
0x3d: {  	s0 =	rddreg [dreg:$0x8]  }
0x3e: {  	[tilespmem:s0], [sflag:$0x1] =	stream.indirect_vreg.gather [hbm4b:s3+s2], $0x80, v3, vm0, $0xb8;
	[tilespmem:$0xC080] =	vst v63  }
0x3f: {  	s5 =	rddreg [dreg:$0x9]  }
0x40: {  	[tilespmem:s5], [sflag:$0x1] =	stream.indirect_vreg.gather [hbm4b:s4+s2], $0x80, v3, vm1, $0xb8;
	[tilespmem:$0xC080] =	vst v63  }
0x41: {  	v3 =	vld [tilespmem:$0x20];
	_ =	sdelay $0x4  }
0x42: {  	v58 =	vshrl.u32 v3, $0x3  }
0x43: {  	v4 =	vmul.u32 $0x18, v58  }
0x44: {  	v3 =	vand.u32 $0x7, v3  }
0x45: {  	v3 =	vor.u32 v3, v4  }
0x46: {  	v4 =	vperm.xlane v3, v0;
	_ =	sdelay $0x1  }
0x47: {  	v4 =	vadd.s32 v1, v4;
	_ =	sdelay $0x1  }
0x48: {  	v3 =	vperm.xlane v3, v2;
	_ =	sdelay $0x1  }
0x49: {  	s0 =	rddreg [dreg:$0xa];
	v3 =	vadd.s32 v1, v3  }
0x4a: {  	[tilespmem:s0], [sflag:$0x1] =	stream.indirect_vreg.gather [hbm4b:s3+s2], $0x80, v4, vm0, $0xb8;
	[tilespmem:$0xC080] =	vst v63  }
0x4b: {  	s5 =	rddreg [dreg:$0xb]  }
0x4c: {  	[tilespmem:s5], [sflag:$0x1] =	stream.indirect_vreg.gather [hbm4b:s4+s2], $0x80, v4, vm1, $0xb8;
	[tilespmem:$0xC080] =	vst v63  }
0x4d: {  	s0 =	rddreg [dreg:$0xc]  }
0x4e: {  	[tilespmem:s0], [sflag:$0x1] =	stream.indirect_vreg.gather [hbm4b:s3+s2], $0x80, v3, vm0, $0xb8;
	[tilespmem:$0xC080] =	vst v63  }
0x4f: {  	s5 =	rddreg [dreg:$0xd]  }
0x50: {  	[tilespmem:s5], [sflag:$0x1] =	stream.indirect_vreg.gather [hbm4b:s4+s2], $0x80, v3, vm1, $0xb8;
	[tilespmem:$0xC080] =	vst v63  }
0x51: {  	v3 =	vld [tilespmem:$0x30];
	_ =	sdelay $0x4  }
0x52: {  	v59 =	vshrl.u32 v3, $0x3  }
0x53: {  	v4 =	vmul.u32 $0x18, v59  }
0x54: {  	v3 =	vand.u32 $0x7, v3  }
0x55: {  	v3 =	vor.u32 v3, v4  }
0x56: {  	v4 =	vperm.xlane v3, v0;
	_ =	sdelay $0x1  }
0x57: {  	v4 =	vadd.s32 v1, v4;
	_ =	sdelay $0x1  }
0x58: {  	v3 =	vperm.xlane v3, v2;
	_ =	sdelay $0x1  }
0x59: {  	v3 =	vadd.s32 v1, v3  }
0x5a: {  	[tilespmem:s9], [sflag:$0x1] =	stream.indirect_vreg.gather [hbm4b:s3+s2], $0x80, v4, vm0, $0xb8;
	[tilespmem:$0xC080] =	vst v63  }
0x5b: {  	_ = 	snop  }
0x5c: {  	[tilespmem:s10], [sflag:$0x1] =	stream.indirect_vreg.gather [hbm4b:s4+s2], $0x80, v4, vm1, $0xb8;
	[tilespmem:$0xC080] =	vst v63  }
0x5d: {  	_ = 	snop  }
0x5e: {  	[tilespmem:s11], [sflag:$0x1] =	stream.indirect_vreg.gather [hbm4b:s3+s2], $0x80, v3, vm0, $0xb8;
	[tilespmem:$0xC080] =	vst v63  }
0x5f: {  	_ = 	snop  }
0x60: {  	[tilespmem:s12], [sflag:$0x1] =	stream.indirect_vreg.gather [hbm4b:s4+s2], $0x80, v3, vm1, $0xb8;
	[tilespmem:$0xC080] =	vst v63  }
0x61: {  	v3 =	vld [tilespmem:$0x40];
	_ =	sdelay $0x4  }
0x62: {  	v60 =	vshrl.u32 v3, $0x3  }
0x63: {  	v4 =	vmul.u32 $0x18, v60  }
0x64: {  	v3 =	vand.u32 $0x7, v3  }
0x65: {  	v3 =	vor.u32 v3, v4  }
0x66: {  	v4 =	vperm.xlane v3, v0;
	_ =	sdelay $0x1  }
0x67: {  	v4 =	vadd.s32 v1, v4;
	_ =	sdelay $0x1  }
0x68: {  	v3 =	vperm.xlane v3, v2;
	_ =	sdelay $0x1  }
0x69: {  	v3 =	vadd.s32 v1, v3  }
0x6a: {  	[tilespmem:s13], [sflag:$0x1] =	stream.indirect_vreg.gather [hbm4b:s3+s2], $0x80, v4, vm0, $0xb8;
	[tilespmem:$0xC080] =	vst v63  }
0x6b: {  	_ = 	snop  }
0x6c: {  	[tilespmem:s14], [sflag:$0x1] =	stream.indirect_vreg.gather [hbm4b:s4+s2], $0x80, v4, vm1, $0xb8;
	[tilespmem:$0xC080] =	vst v63  }
0x6d: {  	_ = 	snop  }
0x6e: {  	[tilespmem:s15], [sflag:$0x1] =	stream.indirect_vreg.gather [hbm4b:s3+s2], $0x80, v3, vm0, $0xb8;
	[tilespmem:$0xC080] =	vst v63  }
0x6f: {  	_ = 	snop  }
0x70: {  	[tilespmem:s16], [sflag:$0x1] =	stream.indirect_vreg.gather [hbm4b:s4+s2], $0x80, v3, vm1, $0xb8;
	[tilespmem:$0xC080] =	vst v63  }
0x71: {  	v3 =	vld [tilespmem:$0x50];
	_ =	sdelay $0x4  }
0x72: {  	v61 =	vshrl.u32 v3, $0x3  }
0x73: {  	v4 =	vmul.u32 $0x18, v61  }
0x74: {  	v3 =	vand.u32 $0x7, v3  }
0x75: {  	v3 =	vor.u32 v3, v4  }
0x76: {  	v4 =	vperm.xlane v3, v0;
	_ =	sdelay $0x1  }
0x77: {  	v4 =	vadd.s32 v1, v4;
	_ =	sdelay $0x1  }
0x78: {  	v3 =	vperm.xlane v3, v2;
	_ =	sdelay $0x1  }
0x79: {  	v3 =	vadd.s32 v1, v3  }
0x7a: {  	[tilespmem:s17], [sflag:$0x1] =	stream.indirect_vreg.gather [hbm4b:s3+s2], $0x80, v4, vm0, $0xb8;
	[tilespmem:$0xC080] =	vst v63  }
0x7b: {  	_ = 	snop  }
0x7c: {  	[tilespmem:s18], [sflag:$0x1] =	stream.indirect_vreg.gather [hbm4b:s4+s2], $0x80, v4, vm1, $0xb8;
	[tilespmem:$0xC080] =	vst v63  }
0x7d: {  	_ = 	snop  }
0x7e: {  	[tilespmem:s19], [sflag:$0x1] =	stream.indirect_vreg.gather [hbm4b:s3+s2], $0x80, v3, vm0, $0xb8;
	[tilespmem:$0xC080] =	vst v63  }
0x7f: {  	_ = 	snop  }
0x80: {  	[tilespmem:s20], [sflag:$0x1] =	stream.indirect_vreg.gather [hbm4b:s4+s2], $0x80, v3, vm1, $0xb8;
	[tilespmem:$0xC080] =	vst v63  }
0x81: {  	v3 =	vld [tilespmem:$0x60];
	_ =	sdelay $0x4  }
0x82: {  	v62 =	vshrl.u32 v3, $0x3  }
0x83: {  	v4 =	vmul.u32 $0x18, v62  }
0x84: {  	v3 =	vand.u32 $0x7, v3  }
0x85: {  	v3 =	vor.u32 v3, v4  }
0x86: {  	v4 =	vperm.xlane v3, v0;
	_ =	sdelay $0x1  }
0x87: {  	v4 =	vadd.s32 v1, v4;
	_ =	sdelay $0x1  }
0x88: {  	v3 =	vperm.xlane v3, v2;
	_ =	sdelay $0x1  }
0x89: {  	v3 =	vadd.s32 v1, v3  }
0x8a: {  	[tilespmem:s21], [sflag:$0x1] =	stream.indirect_vreg.gather [hbm4b:s3+s2], $0x80, v4, vm0, $0xb8;
	[tilespmem:$0xC080] =	vst v63  }
0x8b: {  	_ = 	snop  }
0x8c: {  	[tilespmem:s22], [sflag:$0x1] =	stream.indirect_vreg.gather [hbm4b:s4+s2], $0x80, v4, vm1, $0xb8;
	[tilespmem:$0xC080] =	vst v63  }
0x8d: {  	_ = 	snop  }
0x8e: {  	[tilespmem:s23], [sflag:$0x1] =	stream.indirect_vreg.gather [hbm4b:s3+s2], $0x80, v3, vm0, $0xb8;
	[tilespmem:$0xC080] =	vst v63  }
0x8f: {  	_ = 	snop  }
0x90: {  	[tilespmem:s24], [sflag:$0x1] =	stream.indirect_vreg.gather [hbm4b:s4+s2], $0x80, v3, vm1, $0xb8;
	[tilespmem:$0xC080] =	vst v63  }
0x91: {  	v3 =	vld [tilespmem:$0x70];
	_ =	sdelay $0x4  }
0x92: {  	v63 =	vshrl.u32 v3, $0x3  }
0x93: {  	v4 =	vmul.u32 $0x18, v63  }
0x94: {  	v3 =	vand.u32 $0x7, v3  }
0x95: {  	v3 =	vor.u32 v3, v4  }
0x96: {  	v4 =	vperm.xlane v3, v0;
	_ =	sdelay $0x1  }
0x97: {  	v4 =	vadd.s32 v1, v4;
	_ =	sdelay $0x1  }
0x98: {  	v3 =	vperm.xlane v3, v2;
	_ =	sdelay $0x1  }
0x99: {  	v3 =	vadd.s32 v1, v3  }
0x9a: {  	[tilespmem:s25], [sflag:$0x1] =	stream.indirect_vreg.gather [hbm4b:s3+s2], $0x80, v4, vm0, $0xb8;
	[tilespmem:$0xC080] =	vst v63  }
0x9b: {  	_ = 	snop  }
0x9c: {  	[tilespmem:s26], [sflag:$0x1] =	stream.indirect_vreg.gather [hbm4b:s4+s2], $0x80, v4, vm1, $0xb8;
	[tilespmem:$0xC080] =	vst v63  }
0x9d: {  	_ = 	snop  }
0x9e: {  	[tilespmem:s28], [sflag:$0x1] =	stream.indirect_vreg.gather [hbm4b:s3+s2], $0x80, v3, vm0, $0xb8;
	[tilespmem:$0xC080] =	vst v63  }
0x9f: {  	_ = 	snop  }
0xa0: {  	[tilespmem:s29], [sflag:$0x1] =	stream.indirect_vreg.gather [hbm4b:s4+s2], $0x80, v3, vm1, $0xb8;
	[tilespmem:$0xC080] =	vst v63  }
0xa1: {  	_ =	swait.ge [sflag:s30], $0xC000  }
0xa2: {  	p0 =	sne.s32 s1, $0x70;
	[sflag:s30] =	ssyncset.done $0x0  }
.Ltmp0:
0xa3: {  	[sflag:s30] =	ssyncadd.s32 $0xFFFF4000;
	(pc) =	sbr.rel @p0 .LBB2_2-.Ltmp0, $4  }
0xa4: {  	[hbm4b:s6+s2] =	stream.linear.scatter [tilespmem:s8], [sflag:$0x2], $0xC000, $0x38;
	[tilespmem:$0xC080] =	vst v63  }
0xa5: {  	_ =	swait.ge [sflag:s7], $0xC000  }
0xa6: {  	[sflag:s7] =	ssyncset.done $0x0  }
0xa7: {  	s1 =	sadd.s32 $0x10, s1;
	s6 =	sadd.s32 $0x1800, s6;
	[sflag:s7] =	ssyncadd.s32 $0xFFFF4000  }
0xa8: {  	s31 =	sadd.s32 $0x1, s31;
	s0 =	rddreg [dreg:$0xe]  }
0xa9: {  	p0 =	sne.s32 s31, s0  }
.Ltmp1:
0xaa: {  	_ = 	snop;
	(pc) =	sbr.rel @p0 .LBB2_1-.Ltmp1, $1  }
0xab: {  	_ =	sdelay $0x3  }
0xac: {  	_ =	sfence.sel $0x180000  }
0xad: {  	[bflag:$0x0] =	sbarrier.arrive $0xFFFF  }
0xae: {  	_ =	strace $0x90000047  }
0xaf: {  	s0 =	stileid.u32;
	[bflag:$0x2] =	sbarrier.arrive $0xFFFF  }
0xb0: {  	p0 =	sne.s32 s0, $0x0;
	s0 =	rddreg [dreg:$0x1]  }
0xb1: {  	s0 =	sadd.s32 @!p0 $0x100000, s0  }
0xb2: {  	[sflag:s0] =	ssyncadd.tile.s32 @!p0 $0x1;
	_ =	shalt  }
.Lfunc_end2:
_tile_overlayer_lowered:
.L_overlay_start_2:
0xb3: {  	(tag) =	ssettag $0x2  }
0xb4: {  	s0 =	rddreg [dreg:$0x0];
	s2 =	stileid.u32  }
0xb5: {  	s1 =	rddreg [dreg:$0x1];
	p0 =	sne.s32 s2, $0x0  }
0xb6: {  	s3 =	rddreg [dreg:$0x2];
	[bflag:$0x3] =	sbarrier.arrive $0xFFFF;
	s2 =	simm.s32 @!p0 $0x1C02  }
0xb7: {  	[timem:s3], [sflag:s2] =	dma.local @!p0 [hbm:s0], s1  }
0xb8: {  	s0 =	simm.s32 @!p0 $0x2  }
0xb9: {  	_ =	swait.ge @!p0 [sflag:s0], s1  }
0xba: {  	s1 =	ssub.s32 @!p0 $0x0, s1;
	[sflag:s0] =	ssyncset.done @!p0 $0x0  }
0xbb: {  	[sflag:s0] =	ssyncadd.s32 @!p0 s1  }
0xbc: {  	[bflag:$0x3] =	sbarrier.arrive $0xFFFF  }
0xbd: {  	_ =	shalt  }

// kernel: kernel.18.cloned.1.call-start
scs
__scs_entry_jumppad:
0x0: {  	(pc) =	sbr.rel $0x88, $3  }
0x1: {  	(tag) =	ssettag $0x0;
	lr =	simm.s32 $0x1  }
0x2: {  	[smem:$0x3F92] =	sst lr;
	_ =	strace $0xD0000000  }
0x3: {  	_ = 	snop  }
0x4: {  	_ = 	snop  }
0x5: {  	_ = 	snop  }
0x6: {  	_ = 	snop  }
0x7: {  	_ = 	snop  }
__scs_overlays_trampoline_lowered:
0x8: {  	[smem:$0x3FA1] =	sst s0  }
0x9: {  	[smem:$0x3FA2] =	sst s1  }
0xa: {  	[smem:$0x3FA3] =	sst s2  }
0xb: {  	[smem:$0x3FA4] =	sst s3  }
0xc: {  	[smem:$0x3FA5] =	sst s4  }
0xd: {  	[smem:$0x3FA6] =	sst s5  }
0xe: {  	[smem:$0x3FA7] =	sst s6  }
0xf: {  	[smem:$0x3FA8] =	sst s7  }
0x10: {  	[smem:$0x3FA9] =	sst s8  }
0x11: {  	[smem:$0x3FAA] =	sst s9;
	s0 =	simm.s32 @!p0 $0x0  }
0x12: {  	s1 =	sld [smem:$0x3F90];
	s0 =	simm.s32 @p0 $0x1  }
0x13: {  	[smem:$0x3FAB] =	sst s0;
	s0 =	simm.s32 @!p1 $0x0  }
0x14: {  	s2 =	sld [smem:$0x3F8F];
	s0 =	simm.s32 @p1 $0x1  }
0x15: {  	[smem:$0x3FAC] =	sst s0;
	s0 =	simm.s32 @!p2 $0x0  }
0x16: {  	s3 =	sld [smem:$0x3FDB];
	s0 =	simm.s32 @p2 $0x1  }
0x17: {  	s4 =	simm.s32 $0x1BF5;
	[smem:$0x3FAE] =	sst s0  }
0x18: {  	s0 =	sld [smem:$0x3F91];
	_ =	swait.ge [sflag:s4], $0x0  }
0x19: {  	s7 =	sld [smem:$0x3F92]  }
0x1a: {  	s8 =	sadd.s32 $0xFFFFE003, lr  }
0x1b: {  	s9 =	sadd.s32 $0xFFFFFEF7, lr;
	s5 =	simm.s32 $0xFFFFFFFF;
	p2 =	slt.u32 s8, $0xFFFFF086  }
0x1c: {  	p1 =	slt.u32 s9, $0xF7A;
	s5 =	simm.s32 @!p2 $0x0  }
0x1d: {  	s5 =	simm.s32 @p1 $0x1;
	p0 =	seq.s32 s7, s2  }
0x1e: {  	s7 =	smul.u32 @!p0 $0xF7A, s2;
	p2 =	seq.s32 @!p0 s5, $0x0  }
0x1f: {  	s9 =	smul.u32 $0xF7A, s1;
	s8 =	simm.s32 @!p0 $0x1BF5;
	p2 =	por !p2, p0  }
0x20: {  	[sflag:s8] =	ssyncset.s32 @!p0 $0xFFFFF086;
	s6 =	sadd.s32 @!p0 s3, s7;
	s7 =	simm.s32 @!p0 $0x108  }
0x21: {  	s3 =	sadd.s32 s3, s9;
	s6 =	sadd.s32 @!p0 $0x88, s6;
	s7 =	simm.s32 @p2 $0x1082  }
0x22: {  	[simem:s7], [sflag:s8] =	dma.local @!p0 [hbm:s6], $0xF7A  }
0x23: {  	s9 =	sor.u32 $0xD0000000, s2;
	s6 =	simm.s32 $0x108;
	_ =	swait.ge @!p0 [sflag:s8], $0x0  }
0x24: {  	s3 =	sadd.s32 $0x88, s3;
	s6 =	simm.s32 @!p1 $0x1082;
	[sflag:s4] =	ssyncset.s32 $0xFFFFF086  }
0x25: {  	[simem:s6], [sflag:s4] =	dma.local [hbm:s3], $0xF7A  }
0x26: {  	[smem:$0x3F92] =	sst s1;
	(tag) =	ssettag s2;
	_ =	strace s9  }
0x27: {  	s1 =	sld [smem:$0x3FA2]  }
0x28: {  	s2 =	sld [smem:$0x3FA3]  }
0x29: {  	s4 =	sld [smem:$0x3FA5]  }
0x2a: {  	p0 =	seq.s32 s5, $0x0;
	s5 =	sld [smem:$0x3FA6]  }
0x2b: {  	s6 =	sld [smem:$0x3FA7]  }
0x2c: {  	s7 =	sld [smem:$0x3FA8]  }
0x2d: {  	s3 =	simm.s32 $0x108;
	s8 =	sld [smem:$0x3FA9]  }
0x2e: {  	s3 =	simm.s32 @!p0 $0x1082;
	s9 =	sld [smem:$0x3FAA]  }
0x2f: {  	lr =	sadd.s32 s0, s3;
	s0 =	sld [smem:$0x3FA1]  }
0x30: {  	s3 =	sld [smem:$0x3FA4]  }
0x31: {  	[smem:$0x3FAD] =	sst s10  }
0x32: {  	s10 =	sld [smem:$0x3FAB];
	_ =	sdelay $0x3  }
0x33: {  	p0 =	seq.s32 s10, $0x1;
	s10 =	sld [smem:$0x3FAD];
	_ =	sdelay $0x3  }
0x34: {  	[smem:$0x3FAD] =	sst s10  }
0x35: {  	s10 =	sld [smem:$0x3FAC];
	_ =	sdelay $0x3  }
0x36: {  	p1 =	seq.s32 s10, $0x1;
	s10 =	sld [smem:$0x3FAD];
	_ =	sdelay $0x3  }
0x37: {  	[smem:$0x3FAD] =	sst s10  }
0x38: {  	s10 =	sld [smem:$0x3FAE]  }
0x39: {  	_ = 	snop;
	(pc) =	sbr.ind lr, $3  }
0x3a: {  	_ = 	snop  }
0x3b: {  	_ = 	snop  }
0x3c: {  	p2 =	seq.s32 s10, $0x1;
	s10 =	sld [smem:$0x3FAD]  }
0x3d: {  	_ =	shalt  }
0x3e: {  	_ =	shalt  }
0x3f: {  	_ =	shalt  }
0x40: {  	_ =	shalt  }
0x41: {  	_ =	shalt  }
0x42: {  	_ =	shalt  }
0x43: {  	_ =	shalt  }
0x44: {  	_ =	shalt  }
0x45: {  	_ =	shalt  }
0x46: {  	_ =	shalt  }
0x47: {  	_ =	shalt  }
0x48: {  	_ =	shalt  }
0x49: {  	_ =	shalt  }
0x4a: {  	_ =	shalt  }
0x4b: {  	_ =	shalt  }
0x4c: {  	_ =	shalt  }
0x4d: {  	_ =	shalt  }
0x4e: {  	_ =	shalt  }
0x4f: {  	_ =	shalt  }
0x50: {  	_ =	shalt  }
0x51: {  	_ =	shalt  }
0x52: {  	_ =	shalt  }
0x53: {  	_ =	shalt  }
0x54: {  	_ =	shalt  }
0x55: {  	_ =	shalt  }
0x56: {  	_ =	shalt  }
0x57: {  	_ =	shalt  }
0x58: {  	_ =	shalt  }
0x59: {  	_ =	shalt  }
0x5a: {  	_ =	shalt  }
0x5b: {  	_ =	shalt  }
0x5c: {  	_ =	shalt  }
0x5d: {  	_ =	shalt  }
0x5e: {  	_ =	shalt  }
0x5f: {  	_ =	shalt  }
0x60: {  	_ =	shalt  }
0x61: {  	_ =	shalt  }
0x62: {  	_ =	shalt  }
0x63: {  	_ =	shalt  }
0x64: {  	_ =	shalt  }
0x65: {  	_ =	shalt  }
0x66: {  	_ =	shalt  }
0x67: {  	_ =	shalt  }
0x68: {  	_ =	shalt  }
0x69: {  	_ =	shalt  }
0x6a: {  	_ =	shalt  }
0x6b: {  	_ =	shalt  }
0x6c: {  	_ =	shalt  }
0x6d: {  	_ =	shalt  }
0x6e: {  	_ =	shalt  }
0x6f: {  	_ =	shalt  }
0x70: {  	_ =	shalt  }
0x71: {  	_ =	shalt  }
0x72: {  	_ =	shalt  }
0x73: {  	_ =	shalt  }
0x74: {  	_ =	shalt  }
0x75: {  	_ =	shalt  }
0x76: {  	_ =	shalt  }
0x77: {  	_ =	shalt  }
0x78: {  	_ =	shalt  }
0x79: {  	_ =	shalt  }
0x7a: {  	_ =	shalt  }
0x7b: {  	_ =	shalt  }
0x7c: {  	_ =	shalt  }
0x7d: {  	_ =	shalt  }
0x7e: {  	_ =	shalt  }
0x7f: {  	_ =	shalt  }
0x80: {  	_ =	shalt  }
0x81: {  	_ =	shalt  }
0x82: {  	_ =	shalt  }
0x83: {  	_ =	shalt  }
0x84: {  	_ =	shalt  }
0x85: {  	_ =	shalt  }
0x86: {  	_ =	shalt  }
0x87: {  	_ =	shalt  }
.Lfunc_end0:
.L_simem_size_0:
called_computation.1_lowered:
.L_overlay_start_0:
0x88: {  	s2 =	sld [smem:$0x3FD9]  }
0x89: {  	s3 =	sld [smem:$0x3FFE];
	_ =	sdelay $0x1  }
0x8a: {  	s1 =	srdreg.scid  }
0x8b: {  	s0 =	sand.u32 $0x1, s1  }
0x8c: {  	s17 =	sshll.u32 s0, $0xA;
	s2 =	sadd.s32 s3, s2  }
0x8d: {  	s2 =	sadd.s32 s2, s17  }
0x8e: {  	[smem:$0x3FB9] =	sst s2  }
0x8f: {  	_ = 	snop  }
0x90: {  	(tm) =	ssettm $0x1  }
0x91: {  	s18 =	sld [smem:$0x3FFB];
	_ =	sdelay $0x3  }
0x92: {  	_ =	strace s18  }
0x93: {  	s2 =	sld [smem:$0x3FFC];
	_ =	sdelay $0x3  }
0x94: {  	_ =	strace s2  }
0x95: {  	s2 =	sld [smem:$0x3FFD];
	_ =	sdelay $0x3  }
0x96: {  	_ =	strace s2  }
0x97: {  	_ =	strace $0x8FFFFFFF  }
0x98: {  	s19 =	sld [smem:$0x3FDB];
	_ =	sdelay $0x1  }
0x99: {  	s20 =	simm.s32 $_scs_section_size  }
0x9a: {  	s4 =	simm.s32 $_size__tile_overlayer_lowered;
	s5 =	simm.s32 $_tile_overlayer_lowered  }
0x9b: {  	s6 =	simm.s32 $0x1BFF;
	s21 =	sshll.u32 s5, $0x1;
	s3 =	sadd.s32 s20, s19  }
0x9c: {  	s22 =	simm.s32 $0x0;
	s4 =	sshll.u32 s4, $0x1;
	s5 =	sadd.s32 s21, s3  }
0x9d: {  	[timem:s22], [sflag:s6] =	dma.local [hbm:s5], s4  }
0x9e: {  	_ =	swait.ge [sflag:s6], s4  }
0x9f: {  	s4 =	ssub.s32 $0x0, s4;
	[sflag:s6] =	ssyncset.done $0x0  }
0xa0: {  	[sflag:s6] =	ssyncadd.s32 s4;
	_ =	sdelay $0x1  }
0xa1: {  	s23 =	simm.s32 $0x1B8B  }
0xa2: {  	_ =	swait.ge [sflag:s23], $0x1  }
0xa3: {  	[sflag:s23] =	ssyncset.done $0x0  }
0xa4: {  	[sflag:s23] =	ssyncadd.s32 $0xFFFFFFFF  }
0xa5: {  	s4 =	sld [smem:$0x0]  }
0xa6: {  	s5 =	sand.u32 $0xFFFFFFFE, s1  }
0xa7: {  	p0 =	sne.s32 s1, s5  }
0xa8: {  	s5 =	sshll.u32 @p0 s5, $0xE  }
0xa9: {  	s5 =	sadd.s32 @p0 $0x11B8D, s5;
	s6 =	sshll.u32 @p0 s4, $0x11  }
0xaa: {  	s5 =	sor.u32 @p0 s6, s5  }
0xab: {  	[sflag:s5] =	ssyncadd.remote.s32 @p0 $0x1;
	_ =	sdelay $0x1  }
0xac: {  	s5 =	simm.s32 @p0 $0x1B8D  }
0xad: {  	_ =	swait.eq @p0 [sflag:s5], $0x1  }
0xae: {  	[sflag:s5] =	ssyncadd.s32 @p0 $0xFFFFFFFF  }
0xaf: {  	s6 =	sshll.u32 @!p0 s1, $0xE  }
0xb0: {  	s6 =	sor.u32 @!p0 $0x4000, s6;
	s5 =	simm.s32 @!p0 $0x1B8D  }
0xb1: {  	s4 =	sshll.u32 @!p0 s4, $0x11;
	s6 =	sadd.s32 @!p0 $0x11B8D, s6;
	_ =	swait.eq @!p0 [sflag:s5], $0x1  }
0xb2: {  	s4 =	sor.u32 @!p0 s4, s6;
	[sflag:s5] =	ssyncadd.s32 @!p0 $0xFFFFFFFF  }
0xb3: {  	s25 =	simm.s32 $0x1B8E;
	s24 =	sld [smem:$0x3FFE];
	[sflag:s4] =	ssyncadd.remote.s32 @!p0 $0x1  }
0xb4: {  	s26 =	simm.s32 $execute0_lowered;
	[smem:$0x3FD2] =	sst s25  }
0xb5: {  	s5 =	sshll.u32 s26, $0x1;
	_ =	strace $0x80000049;
	[dreg:$0x1] =	wrdreg $0xFFFFFFFF  }
0xb6: {  	s28 =	simm.s32 $_size_execute0_lowered;
	s3 =	sadd.s32 s3, s5;
	[dreg:$0x0] =	wrdreg $0x0  }
0xb7: {  	s5 =	sshll.u32 s28, $0x1;
	[dreg:$0x2] =	wrdreg s3  }
0xb8: {  	[dreg:$0x3] =	wrdreg s5  }
0xb9: {  	[dreg:$0x4] =	wrdreg $0xC0  }
0xba: {  	_ =	task [dreg:s22], $0x5FFFF  }
0xbb: {  	[dreg:$0x1] =	wrdreg $0xFFFFFFFF  }
0xbc: {  	[dreg:$0x0] =	wrdreg $0x60  }
0xbd: {  	[dreg:$0x2] =	wrdreg s24  }
0xbe: {  	[dreg:$0x3] =	wrdreg $0xA  }
0xbf: {  	_ =	task.clear_ibuf [dreg:s22], $0x4FFFF;
	_ =	strace $0x90000049  }
0xc0: {  	s29 =	simm.s32 $0xA;
	_ =	strace $0x8000004B  }
0xc1: {  	_ =	swait.ge [sflag:s29], $0x1  }
0xc2: {  	[sflag:s29] =	ssyncadd.s32 $0xFFFFFFFF  }
0xc3: {  	_ =	strace $0x9000004B  }
0xc4: {  	_ =	sfence  }
0xc5: {  	s30 =	sld [smem:$0x0];
	_ =	sdelay $0x2  }
0xc6: {  	s31 =	sshll.u32 s1, $0xD;
	s1 =	sshrl.u32 s1, $0x2  }
0xc7: {  	s4 =	sand.u32 $0x4000, s31;
	s1 =	sadd.s32 s1, s30  }
0xc8: {  	s0 =	sor.u32 s4, s0;
	s1 =	sshll.u32 s1, $0x11  }
0xc9: {  	s0 =	sor.u32 s1, s0  }
0xca: {  	s0 =	sadd.s32 $0x8F2B, s0  }
0xcb: {  	[sflag:s0] =	ssyncadd.remote.s32 $0x1  }
0xcc: {  	_ =	sfence.sel $0xFFFF  }
0xcd: {  	[dreg:$0x0] =	wrdreg $0xFFFFFFFF;
	(pc) =	sbr.abs _section_cstart, $3  }
0xce: {  	[dreg:$0x1] =	wrdreg $0xFFFFFFFF  }
0xcf: {  	_ =	task.clear_ibuf [dreg:s22], $0x2FFFF;
	_ =	strace $0x9FFFFFFF  }
0xd0: {  	(tm) =	ssettm $0x7FFFFFFF  }
0xd1: {  	_ =	shalt  }
tec
execute0_lowered:
.L_overlay_start_1:
0x0: {  	(tag) =	ssettag $0x1  }
0x1: {  	s0 =	rddreg [dreg:$0x0]  }
0x2: {  	s5 =	stileid.u32;
	s1 =	srdreg.scid  }
0x3: {  	s2 =	simm.s32 $0x0;
	s14 =	simm.s32 $0x880;
	s15 =	simm.s32 $0xC80  }
0x4: {  	s17 =	simm.s32 $0x1480;
	s18 =	simm.s32 $0x1880;
	s19 =	simm.s32 $0x2080  }
0x5: {  	s20 =	simm.s32 $0x2480;
	s21 =	simm.s32 $0x2C80;
	[smem:$0x7FF] =	sst s2  }
0x6: {  	s22 =	simm.s32 $0x3080;
	_ =	strace $0x8000004A;
	[dreg:$0x3] =	wrdreg s14  }
0x7: {  	s23 =	simm.s32 $0x3880;
	s25 =	simm.s32 $0x3C80;
	[dreg:$0x4] =	wrdreg s15  }
0x8: {  	s26 =	simm.s32 $0x4480;
	s8 =	simm.s32 $0x80;
	[dreg:$0x5] =	wrdreg s17  }
0x9: {  	s9 =	simm.s32 $0x4880;
	s10 =	simm.s32 $0x5080;
	[dreg:$0x6] =	wrdreg s18  }
0xa: {  	s11 =	simm.s32 $0x5480;
	s28 =	simm.s32 $0xB480;
	[dreg:$0x7] =	wrdreg s19  }
0xb: {  	s29 =	simm.s32 $0xBC80;
	s30 =	simm.s32 $0x1;
	[dreg:$0x8] =	wrdreg s20  }
0xc: {  	s31 =	simm.s32 $0x0;
	s3 =	sshll.u32 s5, $0x8;
	[dreg:$0x9] =	wrdreg s21  }
0xd: {  	s1 =	sand.u32 $0x1, s1;
	s12 =	smul.u32 $0x18000, s5;
	[dreg:$0xa] =	wrdreg s22  }
0xe: {  	s3 =	sadd.s32 s3, s0;
	s4 =	sshll.u32 s1, $0x7;
	[dreg:$0xb] =	wrdreg s23  }
0xf: {  	s16 =	ssub.s32 $0x2, s1;
	s1 =	smul.u32 $0xC000, s1;
	[dreg:$0xc] =	wrdreg s25  }
0x10: {  	[dreg:$0xd] =	wrdreg s26;
	s14 =	simm.s32 $0x6880;
	s15 =	simm.s32 $0x6C80  }
0x11: {  	s17 =	simm.s32 $0x7880;
	s18 =	simm.s32 $0x8080;
	s19 =	simm.s32 $0x8480  }
0x12: {  	s20 =	simm.s32 $0x8C80;
	s21 =	simm.s32 $0x9080;
	s22 =	simm.s32 $0x9880  }
0x13: {  	s23 =	simm.s32 $0x9C80;
	s25 =	simm.s32 $0xA880;
	s26 =	simm.s32 $0xB080  }
0x14: {  	s3 =	sadd.s32 s4, s3;
	s6 =	sadd.s32 s12, s0;
	s7 =	sshrl.u32 s16, $0x1  }
0x15: {  	s4 =	sadd.s32 $0x1DD00, s0;
	s12 =	simm.s32 $0x5C80;
	s13 =	sadd.s32 $0x1FDC00, s3  }
0x16: {  	s3 =	sadd.s32 $0x1DC00, s0;
	s5 =	ssub.s32 s16, s7;
	s1 =	sadd.s32 s1, s6  }
0x17: {  	v2 =	vlaneseq.u32;
	s7 =	simm.s32 $0x2;
	[dreg:$0x2] =	wrdreg s13;
	s5 =	smax.u32 s5, $0x1  }
0x18: {  	vm0 =	vmmov $0xffff;
	vm1 =	vmmov $0xff;
	v1 =	vshrl.u32 v2, $0x3;
	s16 =	simm.s32 $0x7480;
	s24 =	sadd.s32 $0x1FEC00, s1;
	[dreg:$0xe] =	wrdreg s5  }
0x19: {  	v0 =	vand.u32 $0x7, v2;
	v2 =	vor.u32 $0x8, v2;
	v1 =	vmul.u32 $0x8, v1;
	s13 =	simm.s32 $0x6080;
	[dreg:$0xf] =	wrdreg s24;
	s24 =	simm.s32 $0xA480  }
.LBB2_1:
0x1a: {  	s6 =	rddreg [dreg:$0xf];
	s1 =	simm.s32 $0x0  }
.LBB2_2:
0x1b: {  	s5 =	rddreg [dreg:$0x2]  }
0x1c: {  	s5 =	sadd.s32 s1, s5  }
0x1d: {  	[tilespmem:s2], [sflag:$0x2] =	stream.linear.gather [hbm4b:s5+s2], $0x80, $0x38;
	[tilespmem:$0xC080] =	vst v63  }
0x1e: {  	_ =	swait.ge [sflag:s7], $0x80  }
0x1f: {  	[sflag:s7] =	ssyncset.done $0x0  }
0x20: {  	[sflag:s7] =	ssyncadd.s32 $0xFFFFFF80  }
0x21: {  	v3 =	vld [tilespmem:$0x0];
	_ =	sdelay $0x4  }
0x22: {  	v4 =	vshrl.u32 v3, $0x3  }
0x23: {  	v4 =	vmul.u32 $0x18, v4  }
0x24: {  	v3 =	vand.u32 $0x7, v3  }
0x25: {  	v3 =	vor.u32 v3, v4  }
0x26: {  	v4 =	vperm.xlane v3, v0;
	_ =	sdelay $0x1  }
0x27: {  	v4 =	vadd.s32 v1, v4;
	_ =	sdelay $0x1  }
0x28: {  	v3 =	vperm.xlane v3, v2;
	_ =	sdelay $0x1  }
0x29: {  	v3 =	vadd.s32 v1, v3  }
0x2a: {  	[tilespmem:s8], [sflag:$0x1] =	stream.indirect_vreg.gather [hbm4b:s3+s2], $0x80, v4, vm0, $0xb8;
	[tilespmem:$0xC080] =	vst v63  }
0x2b: {  	s5 =	rddreg [dreg:$0x3]  }
0x2c: {  	[tilespmem:s5], [sflag:$0x1] =	stream.indirect_vreg.gather [hbm4b:s4+s2], $0x80, v4, vm1, $0xb8;
	[tilespmem:$0xC080] =	vst v63  }
0x2d: {  	s0 =	rddreg [dreg:$0x4]  }
0x2e: {  	[tilespmem:s0], [sflag:$0x1] =	stream.indirect_vreg.gather [hbm4b:s3+s2], $0x80, v3, vm0, $0xb8;
	[tilespmem:$0xC080] =	vst v63  }
0x2f: {  	s5 =	rddreg [dreg:$0x5]  }
0x30: {  	[tilespmem:s5], [sflag:$0x1] =	stream.indirect_vreg.gather [hbm4b:s4+s2], $0x80, v3, vm1, $0xb8;
	[tilespmem:$0xC080] =	vst v63  }
0x31: {  	v3 =	vld [tilespmem:$0x10];
	_ =	sdelay $0x4  }
0x32: {  	v57 =	vshrl.u32 v3, $0x3  }
0x33: {  	v4 =	vmul.u32 $0x18, v57  }
0x34: {  	v3 =	vand.u32 $0x7, v3  }
0x35: {  	v3 =	vor.u32 v3, v4  }
0x36: {  	v4 =	vperm.xlane v3, v0;
	_ =	sdelay $0x1  }
0x37: {  	v4 =	vadd.s32 v1, v4;
	_ =	sdelay $0x1  }
0x38: {  	v3 =	vperm.xlane v3, v2;
	_ =	sdelay $0x1  }
0x39: {  	s0 =	rddreg [dreg:$0x6];
	v3 =	vadd.s32 v1, v3  }
0x3a: {  	[tilespmem:s0], [sflag:$0x1] =	stream.indirect_vreg.gather [hbm4b:s3+s2], $0x80, v4, vm0, $0xb8;
	[tilespmem:$0xC080] =	vst v63  }
0x3b: {  	s5 =	rddreg [dreg:$0x7]  }
0x3c: {  	[tilespmem:s5], [sflag:$0x1] =	stream.indirect_vreg.gather [hbm4b:s4+s2], $0x80, v4, vm1, $0xb8;
	[tilespmem:$0xC080] =	vst v63  }
0x3d: {  	s0 =	rddreg [dreg:$0x8]  }
0x3e: {  	[tilespmem:s0], [sflag:$0x1] =	stream.indirect_vreg.gather [hbm4b:s3+s2], $0x80, v3, vm0, $0xb8;
	[tilespmem:$0xC080] =	vst v63  }
0x3f: {  	s5 =	rddreg [dreg:$0x9]  }
0x40: {  	[tilespmem:s5], [sflag:$0x1] =	stream.indirect_vreg.gather [hbm4b:s4+s2], $0x80, v3, vm1, $0xb8;
	[tilespmem:$0xC080] =	vst v63  }
0x41: {  	v3 =	vld [tilespmem:$0x20];
	_ =	sdelay $0x4  }
0x42: {  	v58 =	vshrl.u32 v3, $0x3  }
0x43: {  	v4 =	vmul.u32 $0x18, v58  }
0x44: {  	v3 =	vand.u32 $0x7, v3  }
0x45: {  	v3 =	vor.u32 v3, v4  }
0x46: {  	v4 =	vperm.xlane v3, v0;
	_ =	sdelay $0x1  }
0x47: {  	v4 =	vadd.s32 v1, v4;
	_ =	sdelay $0x1  }
0x48: {  	v3 =	vperm.xlane v3, v2;
	_ =	sdelay $0x1  }
0x49: {  	s0 =	rddreg [dreg:$0xa];
	v3 =	vadd.s32 v1, v3  }
0x4a: {  	[tilespmem:s0], [sflag:$0x1] =	stream.indirect_vreg.gather [hbm4b:s3+s2], $0x80, v4, vm0, $0xb8;
	[tilespmem:$0xC080] =	vst v63  }
0x4b: {  	s5 =	rddreg [dreg:$0xb]  }
0x4c: {  	[tilespmem:s5], [sflag:$0x1] =	stream.indirect_vreg.gather [hbm4b:s4+s2], $0x80, v4, vm1, $0xb8;
	[tilespmem:$0xC080] =	vst v63  }
0x4d: {  	s0 =	rddreg [dreg:$0xc]  }
0x4e: {  	[tilespmem:s0], [sflag:$0x1] =	stream.indirect_vreg.gather [hbm4b:s3+s2], $0x80, v3, vm0, $0xb8;
	[tilespmem:$0xC080] =	vst v63  }
0x4f: {  	s5 =	rddreg [dreg:$0xd]  }
0x50: {  	[tilespmem:s5], [sflag:$0x1] =	stream.indirect_vreg.gather [hbm4b:s4+s2], $0x80, v3, vm1, $0xb8;
	[tilespmem:$0xC080] =	vst v63  }
0x51: {  	v3 =	vld [tilespmem:$0x30];
	_ =	sdelay $0x4  }
0x52: {  	v59 =	vshrl.u32 v3, $0x3  }
0x53: {  	v4 =	vmul.u32 $0x18, v59  }
0x54: {  	v3 =	vand.u32 $0x7, v3  }
0x55: {  	v3 =	vor.u32 v3, v4  }
0x56: {  	v4 =	vperm.xlane v3, v0;
	_ =	sdelay $0x1  }
0x57: {  	v4 =	vadd.s32 v1, v4;
	_ =	sdelay $0x1  }
0x58: {  	v3 =	vperm.xlane v3, v2;
	_ =	sdelay $0x1  }
0x59: {  	v3 =	vadd.s32 v1, v3  }
0x5a: {  	[tilespmem:s9], [sflag:$0x1] =	stream.indirect_vreg.gather [hbm4b:s3+s2], $0x80, v4, vm0, $0xb8;
	[tilespmem:$0xC080] =	vst v63  }
0x5b: {  	_ = 	snop  }
0x5c: {  	[tilespmem:s10], [sflag:$0x1] =	stream.indirect_vreg.gather [hbm4b:s4+s2], $0x80, v4, vm1, $0xb8;
	[tilespmem:$0xC080] =	vst v63  }
0x5d: {  	_ = 	snop  }
0x5e: {  	[tilespmem:s11], [sflag:$0x1] =	stream.indirect_vreg.gather [hbm4b:s3+s2], $0x80, v3, vm0, $0xb8;
	[tilespmem:$0xC080] =	vst v63  }
0x5f: {  	_ = 	snop  }
0x60: {  	[tilespmem:s12], [sflag:$0x1] =	stream.indirect_vreg.gather [hbm4b:s4+s2], $0x80, v3, vm1, $0xb8;
	[tilespmem:$0xC080] =	vst v63  }
0x61: {  	v3 =	vld [tilespmem:$0x40];
	_ =	sdelay $0x4  }
0x62: {  	v60 =	vshrl.u32 v3, $0x3  }
0x63: {  	v4 =	vmul.u32 $0x18, v60  }
0x64: {  	v3 =	vand.u32 $0x7, v3  }
0x65: {  	v3 =	vor.u32 v3, v4  }
0x66: {  	v4 =	vperm.xlane v3, v0;
	_ =	sdelay $0x1  }
0x67: {  	v4 =	vadd.s32 v1, v4;
	_ =	sdelay $0x1  }
0x68: {  	v3 =	vperm.xlane v3, v2;
	_ =	sdelay $0x1  }
0x69: {  	v3 =	vadd.s32 v1, v3  }
0x6a: {  	[tilespmem:s13], [sflag:$0x1] =	stream.indirect_vreg.gather [hbm4b:s3+s2], $0x80, v4, vm0, $0xb8;
	[tilespmem:$0xC080] =	vst v63  }
0x6b: {  	_ = 	snop  }
0x6c: {  	[tilespmem:s14], [sflag:$0x1] =	stream.indirect_vreg.gather [hbm4b:s4+s2], $0x80, v4, vm1, $0xb8;
	[tilespmem:$0xC080] =	vst v63  }
0x6d: {  	_ = 	snop  }
0x6e: {  	[tilespmem:s15], [sflag:$0x1] =	stream.indirect_vreg.gather [hbm4b:s3+s2], $0x80, v3, vm0, $0xb8;
	[tilespmem:$0xC080] =	vst v63  }
0x6f: {  	_ = 	snop  }
0x70: {  	[tilespmem:s16], [sflag:$0x1] =	stream.indirect_vreg.gather [hbm4b:s4+s2], $0x80, v3, vm1, $0xb8;
	[tilespmem:$0xC080] =	vst v63  }
0x71: {  	v3 =	vld [tilespmem:$0x50];
	_ =	sdelay $0x4  }
0x72: {  	v61 =	vshrl.u32 v3, $0x3  }
0x73: {  	v4 =	vmul.u32 $0x18, v61  }
0x74: {  	v3 =	vand.u32 $0x7, v3  }
0x75: {  	v3 =	vor.u32 v3, v4  }
0x76: {  	v4 =	vperm.xlane v3, v0;
	_ =	sdelay $0x1  }
0x77: {  	v4 =	vadd.s32 v1, v4;
	_ =	sdelay $0x1  }
0x78: {  	v3 =	vperm.xlane v3, v2;
	_ =	sdelay $0x1  }
0x79: {  	v3 =	vadd.s32 v1, v3  }
0x7a: {  	[tilespmem:s17], [sflag:$0x1] =	stream.indirect_vreg.gather [hbm4b:s3+s2], $0x80, v4, vm0, $0xb8;
	[tilespmem:$0xC080] =	vst v63  }
0x7b: {  	_ = 	snop  }
0x7c: {  	[tilespmem:s18], [sflag:$0x1] =	stream.indirect_vreg.gather [hbm4b:s4+s2], $0x80, v4, vm1, $0xb8;
	[tilespmem:$0xC080] =	vst v63  }
0x7d: {  	_ = 	snop  }
0x7e: {  	[tilespmem:s19], [sflag:$0x1] =	stream.indirect_vreg.gather [hbm4b:s3+s2], $0x80, v3, vm0, $0xb8;
	[tilespmem:$0xC080] =	vst v63  }
0x7f: {  	_ = 	snop  }
0x80: {  	[tilespmem:s20], [sflag:$0x1] =	stream.indirect_vreg.gather [hbm4b:s4+s2], $0x80, v3, vm1, $0xb8;
	[tilespmem:$0xC080] =	vst v63  }
0x81: {  	v3 =	vld [tilespmem:$0x60];
	_ =	sdelay $0x4  }
0x82: {  	v62 =	vshrl.u32 v3, $0x3  }
0x83: {  	v4 =	vmul.u32 $0x18, v62  }
0x84: {  	v3 =	vand.u32 $0x7, v3  }
0x85: {  	v3 =	vor.u32 v3, v4  }
0x86: {  	v4 =	vperm.xlane v3, v0;
	_ =	sdelay $0x1  }
0x87: {  	v4 =	vadd.s32 v1, v4;
	_ =	sdelay $0x1  }
0x88: {  	v3 =	vperm.xlane v3, v2;
	_ =	sdelay $0x1  }
0x89: {  	v3 =	vadd.s32 v1, v3  }
0x8a: {  	[tilespmem:s21], [sflag:$0x1] =	stream.indirect_vreg.gather [hbm4b:s3+s2], $0x80, v4, vm0, $0xb8;
	[tilespmem:$0xC080] =	vst v63  }
0x8b: {  	_ = 	snop  }
0x8c: {  	[tilespmem:s22], [sflag:$0x1] =	stream.indirect_vreg.gather [hbm4b:s4+s2], $0x80, v4, vm1, $0xb8;
	[tilespmem:$0xC080] =	vst v63  }
0x8d: {  	_ = 	snop  }
0x8e: {  	[tilespmem:s23], [sflag:$0x1] =	stream.indirect_vreg.gather [hbm4b:s3+s2], $0x80, v3, vm0, $0xb8;
	[tilespmem:$0xC080] =	vst v63  }
0x8f: {  	_ = 	snop  }
0x90: {  	[tilespmem:s24], [sflag:$0x1] =	stream.indirect_vreg.gather [hbm4b:s4+s2], $0x80, v3, vm1, $0xb8;
	[tilespmem:$0xC080] =	vst v63  }
0x91: {  	v3 =	vld [tilespmem:$0x70];
	_ =	sdelay $0x4  }
0x92: {  	v63 =	vshrl.u32 v3, $0x3  }
0x93: {  	v4 =	vmul.u32 $0x18, v63  }
0x94: {  	v3 =	vand.u32 $0x7, v3  }
0x95: {  	v3 =	vor.u32 v3, v4  }
0x96: {  	v4 =	vperm.xlane v3, v0;
	_ =	sdelay $0x1  }
0x97: {  	v4 =	vadd.s32 v1, v4;
	_ =	sdelay $0x1  }
0x98: {  	v3 =	vperm.xlane v3, v2;
	_ =	sdelay $0x1  }
0x99: {  	v3 =	vadd.s32 v1, v3  }
0x9a: {  	[tilespmem:s25], [sflag:$0x1] =	stream.indirect_vreg.gather [hbm4b:s3+s2], $0x80, v4, vm0, $0xb8;
	[tilespmem:$0xC080] =	vst v63  }
0x9b: {  	_ = 	snop  }
0x9c: {  	[tilespmem:s26], [sflag:$0x1] =	stream.indirect_vreg.gather [hbm4b:s4+s2], $0x80, v4, vm1, $0xb8;
	[tilespmem:$0xC080] =	vst v63  }
0x9d: {  	_ = 	snop  }
0x9e: {  	[tilespmem:s28], [sflag:$0x1] =	stream.indirect_vreg.gather [hbm4b:s3+s2], $0x80, v3, vm0, $0xb8;
	[tilespmem:$0xC080] =	vst v63  }
0x9f: {  	_ = 	snop  }
0xa0: {  	[tilespmem:s29], [sflag:$0x1] =	stream.indirect_vreg.gather [hbm4b:s4+s2], $0x80, v3, vm1, $0xb8;
	[tilespmem:$0xC080] =	vst v63  }
0xa1: {  	_ =	swait.ge [sflag:s30], $0xC000  }
0xa2: {  	p0 =	sne.s32 s1, $0x70;
	[sflag:s30] =	ssyncset.done $0x0  }
.Ltmp0:
0xa3: {  	[sflag:s30] =	ssyncadd.s32 $0xFFFF4000;
	(pc) =	sbr.rel @p0 .LBB2_2-.Ltmp0, $4  }
0xa4: {  	[hbm4b:s6+s2] =	stream.linear.scatter [tilespmem:s8], [sflag:$0x2], $0xC000, $0x38;
	[tilespmem:$0xC080] =	vst v63  }
0xa5: {  	_ =	swait.ge [sflag:s7], $0xC000  }
0xa6: {  	[sflag:s7] =	ssyncset.done $0x0  }
0xa7: {  	s1 =	sadd.s32 $0x10, s1;
	s6 =	sadd.s32 $0x1800, s6;
	[sflag:s7] =	ssyncadd.s32 $0xFFFF4000  }
0xa8: {  	s31 =	sadd.s32 $0x1, s31;
	s0 =	rddreg [dreg:$0xe]  }
0xa9: {  	p0 =	sne.s32 s31, s0  }
.Ltmp1:
0xaa: {  	_ = 	snop;
	(pc) =	sbr.rel @p0 .LBB2_1-.Ltmp1, $1  }
0xab: {  	_ =	sdelay $0x3  }
0xac: {  	_ =	sfence.sel $0x180000  }
0xad: {  	[bflag:$0x0] =	sbarrier.arrive $0xFFFF  }
0xae: {  	_ =	strace $0x9000004A  }
0xaf: {  	s0 =	stileid.u32;
	[bflag:$0x2] =	sbarrier.arrive $0xFFFF  }
0xb0: {  	p0 =	sne.s32 s0, $0x0;
	s0 =	rddreg [dreg:$0x1]  }
0xb1: {  	s0 =	sadd.s32 @!p0 $0x100000, s0  }
0xb2: {  	[sflag:s0] =	ssyncadd.tile.s32 @!p0 $0x1;
	_ =	shalt  }
.Lfunc_end2:
_tile_overlayer_lowered:
.L_overlay_start_2:
0xb3: {  	(tag) =	ssettag $0x2  }
0xb4: {  	s0 =	rddreg [dreg:$0x0];
	s2 =	stileid.u32  }
0xb5: {  	s1 =	rddreg [dreg:$0x1];
	p0 =	sne.s32 s2, $0x0  }
0xb6: {  	s3 =	rddreg [dreg:$0x2];
	[bflag:$0x3] =	sbarrier.arrive $0xFFFF;
	s2 =	simm.s32 @!p0 $0x1C02  }
0xb7: {  	[timem:s3], [sflag:s2] =	dma.local @!p0 [hbm:s0], s1  }
0xb8: {  	s0 =	simm.s32 @!p0 $0x2  }
0xb9: {  	_ =	swait.ge @!p0 [sflag:s0], s1  }
0xba: {  	s1 =	ssub.s32 @!p0 $0x0, s1;
	[sflag:s0] =	ssyncset.done @!p0 $0x0  }
0xbb: {  	[sflag:s0] =	ssyncadd.s32 @!p0 s1  }
0xbc: {  	[bflag:$0x3] =	sbarrier.arrive $0xFFFF  }
0xbd: {  	_ =	shalt  }

// kernel: kernel.21.cloned.1.call-start
scs
__scs_entry_jumppad:
0x0: {  	(pc) =	sbr.rel $0x88, $3  }
0x1: {  	(tag) =	ssettag $0x0;
	lr =	simm.s32 $0x1  }
0x2: {  	[smem:$0x3F92] =	sst lr;
	_ =	strace $0xD0000000  }
0x3: {  	_ = 	snop  }
0x4: {  	_ = 	snop  }
0x5: {  	_ = 	snop  }
0x6: {  	_ = 	snop  }
0x7: {  	_ = 	snop  }
__scs_overlays_trampoline_lowered:
0x8: {  	[smem:$0x3FA1] =	sst s0  }
0x9: {  	[smem:$0x3FA2] =	sst s1  }
0xa: {  	[smem:$0x3FA3] =	sst s2  }
0xb: {  	[smem:$0x3FA4] =	sst s3  }
0xc: {  	[smem:$0x3FA5] =	sst s4  }
0xd: {  	[smem:$0x3FA6] =	sst s5  }
0xe: {  	[smem:$0x3FA7] =	sst s6  }
0xf: {  	[smem:$0x3FA8] =	sst s7  }
0x10: {  	[smem:$0x3FA9] =	sst s8  }
0x11: {  	[smem:$0x3FAA] =	sst s9;
	s0 =	simm.s32 @!p0 $0x0  }
0x12: {  	s1 =	sld [smem:$0x3F90];
	s0 =	simm.s32 @p0 $0x1  }
0x13: {  	[smem:$0x3FAB] =	sst s0;
	s0 =	simm.s32 @!p1 $0x0  }
0x14: {  	s2 =	sld [smem:$0x3F8F];
	s0 =	simm.s32 @p1 $0x1  }
0x15: {  	[smem:$0x3FAC] =	sst s0;
	s0 =	simm.s32 @!p2 $0x0  }
0x16: {  	s3 =	sld [smem:$0x3FDB];
	s0 =	simm.s32 @p2 $0x1  }
0x17: {  	s4 =	simm.s32 $0x1BF5;
	[smem:$0x3FAE] =	sst s0  }
0x18: {  	s0 =	sld [smem:$0x3F91];
	_ =	swait.ge [sflag:s4], $0x0  }
0x19: {  	s7 =	sld [smem:$0x3F92]  }
0x1a: {  	s8 =	sadd.s32 $0xFFFFE003, lr  }
0x1b: {  	s9 =	sadd.s32 $0xFFFFFEF7, lr;
	s5 =	simm.s32 $0xFFFFFFFF;
	p2 =	slt.u32 s8, $0xFFFFF086  }
0x1c: {  	p1 =	slt.u32 s9, $0xF7A;
	s5 =	simm.s32 @!p2 $0x0  }
0x1d: {  	s5 =	simm.s32 @p1 $0x1;
	p0 =	seq.s32 s7, s2  }
0x1e: {  	s7 =	smul.u32 @!p0 $0xF7A, s2;
	p2 =	seq.s32 @!p0 s5, $0x0  }
0x1f: {  	s9 =	smul.u32 $0xF7A, s1;
	s8 =	simm.s32 @!p0 $0x1BF5;
	p2 =	por !p2, p0  }
0x20: {  	[sflag:s8] =	ssyncset.s32 @!p0 $0xFFFFF086;
	s6 =	sadd.s32 @!p0 s3, s7;
	s7 =	simm.s32 @!p0 $0x108  }
0x21: {  	s3 =	sadd.s32 s3, s9;
	s6 =	sadd.s32 @!p0 $0x88, s6;
	s7 =	simm.s32 @p2 $0x1082  }
0x22: {  	[simem:s7], [sflag:s8] =	dma.local @!p0 [hbm:s6], $0xF7A  }
0x23: {  	s9 =	sor.u32 $0xD0000000, s2;
	s6 =	simm.s32 $0x108;
	_ =	swait.ge @!p0 [sflag:s8], $0x0  }
0x24: {  	s3 =	sadd.s32 $0x88, s3;
	s6 =	simm.s32 @!p1 $0x1082;
	[sflag:s4] =	ssyncset.s32 $0xFFFFF086  }
0x25: {  	[simem:s6], [sflag:s4] =	dma.local [hbm:s3], $0xF7A  }
0x26: {  	[smem:$0x3F92] =	sst s1;
	(tag) =	ssettag s2;
	_ =	strace s9  }
0x27: {  	s1 =	sld [smem:$0x3FA2]  }
0x28: {  	s2 =	sld [smem:$0x3FA3]  }
0x29: {  	s4 =	sld [smem:$0x3FA5]  }
0x2a: {  	p0 =	seq.s32 s5, $0x0;
	s5 =	sld [smem:$0x3FA6]  }
0x2b: {  	s6 =	sld [smem:$0x3FA7]  }
0x2c: {  	s7 =	sld [smem:$0x3FA8]  }
0x2d: {  	s3 =	simm.s32 $0x108;
	s8 =	sld [smem:$0x3FA9]  }
0x2e: {  	s3 =	simm.s32 @!p0 $0x1082;
	s9 =	sld [smem:$0x3FAA]  }
0x2f: {  	lr =	sadd.s32 s0, s3;
	s0 =	sld [smem:$0x3FA1]  }
0x30: {  	s3 =	sld [smem:$0x3FA4]  }
0x31: {  	[smem:$0x3FAD] =	sst s10  }
0x32: {  	s10 =	sld [smem:$0x3FAB];
	_ =	sdelay $0x3  }
0x33: {  	p0 =	seq.s32 s10, $0x1;
	s10 =	sld [smem:$0x3FAD];
	_ =	sdelay $0x3  }
0x34: {  	[smem:$0x3FAD] =	sst s10  }
0x35: {  	s10 =	sld [smem:$0x3FAC];
	_ =	sdelay $0x3  }
0x36: {  	p1 =	seq.s32 s10, $0x1;
	s10 =	sld [smem:$0x3FAD];
	_ =	sdelay $0x3  }
0x37: {  	[smem:$0x3FAD] =	sst s10  }
0x38: {  	s10 =	sld [smem:$0x3FAE]  }
0x39: {  	_ = 	snop;
	(pc) =	sbr.ind lr, $3  }
0x3a: {  	_ = 	snop  }
0x3b: {  	_ = 	snop  }
0x3c: {  	p2 =	seq.s32 s10, $0x1;
	s10 =	sld [smem:$0x3FAD]  }
0x3d: {  	_ =	shalt  }
0x3e: {  	_ =	shalt  }
0x3f: {  	_ =	shalt  }
0x40: {  	_ =	shalt  }
0x41: {  	_ =	shalt  }
0x42: {  	_ =	shalt  }
0x43: {  	_ =	shalt  }
0x44: {  	_ =	shalt  }
0x45: {  	_ =	shalt  }
0x46: {  	_ =	shalt  }
0x47: {  	_ =	shalt  }
0x48: {  	_ =	shalt  }
0x49: {  	_ =	shalt  }
0x4a: {  	_ =	shalt  }
0x4b: {  	_ =	shalt  }
0x4c: {  	_ =	shalt  }
0x4d: {  	_ =	shalt  }
0x4e: {  	_ =	shalt  }
0x4f: {  	_ =	shalt  }
0x50: {  	_ =	shalt  }
0x51: {  	_ =	shalt  }
0x52: {  	_ =	shalt  }
0x53: {  	_ =	shalt  }
0x54: {  	_ =	shalt  }
0x55: {  	_ =	shalt  }
0x56: {  	_ =	shalt  }
0x57: {  	_ =	shalt  }
0x58: {  	_ =	shalt  }
0x59: {  	_ =	shalt  }
0x5a: {  	_ =	shalt  }
0x5b: {  	_ =	shalt  }
0x5c: {  	_ =	shalt  }
0x5d: {  	_ =	shalt  }
0x5e: {  	_ =	shalt  }
0x5f: {  	_ =	shalt  }
0x60: {  	_ =	shalt  }
0x61: {  	_ =	shalt  }
0x62: {  	_ =	shalt  }
0x63: {  	_ =	shalt  }
0x64: {  	_ =	shalt  }
0x65: {  	_ =	shalt  }
0x66: {  	_ =	shalt  }
0x67: {  	_ =	shalt  }
0x68: {  	_ =	shalt  }
0x69: {  	_ =	shalt  }
0x6a: {  	_ =	shalt  }
0x6b: {  	_ =	shalt  }
0x6c: {  	_ =	shalt  }
0x6d: {  	_ =	shalt  }
0x6e: {  	_ =	shalt  }
0x6f: {  	_ =	shalt  }
0x70: {  	_ =	shalt  }
0x71: {  	_ =	shalt  }
0x72: {  	_ =	shalt  }
0x73: {  	_ =	shalt  }
0x74: {  	_ =	shalt  }
0x75: {  	_ =	shalt  }
0x76: {  	_ =	shalt  }
0x77: {  	_ =	shalt  }
0x78: {  	_ =	shalt  }
0x79: {  	_ =	shalt  }
0x7a: {  	_ =	shalt  }
0x7b: {  	_ =	shalt  }
0x7c: {  	_ =	shalt  }
0x7d: {  	_ =	shalt  }
0x7e: {  	_ =	shalt  }
0x7f: {  	_ =	shalt  }
0x80: {  	_ =	shalt  }
0x81: {  	_ =	shalt  }
0x82: {  	_ =	shalt  }
0x83: {  	_ =	shalt  }
0x84: {  	_ =	shalt  }
0x85: {  	_ =	shalt  }
0x86: {  	_ =	shalt  }
0x87: {  	_ =	shalt  }
.Lfunc_end0:
.L_simem_size_0:
called_computation.2_lowered:
.L_overlay_start_0:
0x88: {  	s2 =	sld [smem:$0x3FD9]  }
0x89: {  	s3 =	sld [smem:$0x3FFE];
	_ =	sdelay $0x1  }
0x8a: {  	s1 =	srdreg.scid  }
0x8b: {  	s0 =	sand.u32 $0x1, s1  }
0x8c: {  	s17 =	sshll.u32 s0, $0xA;
	s2 =	sadd.s32 s3, s2  }
0x8d: {  	s2 =	sadd.s32 s2, s17  }
0x8e: {  	[smem:$0x3FB9] =	sst s2  }
0x8f: {  	_ = 	snop  }
0x90: {  	(tm) =	ssettm $0x1  }
0x91: {  	s18 =	sld [smem:$0x3FFB];
	_ =	sdelay $0x3  }
0x92: {  	_ =	strace s18  }
0x93: {  	s2 =	sld [smem:$0x3FFC];
	_ =	sdelay $0x3  }
0x94: {  	_ =	strace s2  }
0x95: {  	s2 =	sld [smem:$0x3FFD];
	_ =	sdelay $0x3  }
0x96: {  	_ =	strace s2  }
0x97: {  	_ =	strace $0x8FFFFFFF  }
0x98: {  	s19 =	sld [smem:$0x3FDB];
	_ =	sdelay $0x1  }
0x99: {  	s20 =	simm.s32 $_scs_section_size  }
0x9a: {  	s4 =	simm.s32 $_size__tile_overlayer_lowered;
	s5 =	simm.s32 $_tile_overlayer_lowered  }
0x9b: {  	s6 =	simm.s32 $0x1BFF;
	s21 =	sshll.u32 s5, $0x1;
	s3 =	sadd.s32 s20, s19  }
0x9c: {  	s22 =	simm.s32 $0x0;
	s4 =	sshll.u32 s4, $0x1;
	s5 =	sadd.s32 s21, s3  }
0x9d: {  	[timem:s22], [sflag:s6] =	dma.local [hbm:s5], s4  }
0x9e: {  	_ =	swait.ge [sflag:s6], s4  }
0x9f: {  	s4 =	ssub.s32 $0x0, s4;
	[sflag:s6] =	ssyncset.done $0x0  }
0xa0: {  	[sflag:s6] =	ssyncadd.s32 s4;
	_ =	sdelay $0x1  }
0xa1: {  	s23 =	simm.s32 $0x1B8B  }
0xa2: {  	_ =	swait.ge [sflag:s23], $0x1  }
0xa3: {  	[sflag:s23] =	ssyncset.done $0x0  }
0xa4: {  	[sflag:s23] =	ssyncadd.s32 $0xFFFFFFFF  }
0xa5: {  	s4 =	sld [smem:$0x0]  }
0xa6: {  	s5 =	sand.u32 $0xFFFFFFFE, s1  }
0xa7: {  	p0 =	sne.s32 s1, s5  }
0xa8: {  	s5 =	sshll.u32 @p0 s5, $0xE  }
0xa9: {  	s5 =	sadd.s32 @p0 $0x11B8D, s5;
	s6 =	sshll.u32 @p0 s4, $0x11  }
0xaa: {  	s5 =	sor.u32 @p0 s6, s5  }
0xab: {  	[sflag:s5] =	ssyncadd.remote.s32 @p0 $0x1;
	_ =	sdelay $0x1  }
0xac: {  	s5 =	simm.s32 @p0 $0x1B8D  }
0xad: {  	_ =	swait.eq @p0 [sflag:s5], $0x1  }
0xae: {  	[sflag:s5] =	ssyncadd.s32 @p0 $0xFFFFFFFF  }
0xaf: {  	s6 =	sshll.u32 @!p0 s1, $0xE  }
0xb0: {  	s6 =	sor.u32 @!p0 $0x4000, s6;
	s5 =	simm.s32 @!p0 $0x1B8D  }
0xb1: {  	s4 =	sshll.u32 @!p0 s4, $0x11;
	s6 =	sadd.s32 @!p0 $0x11B8D, s6;
	_ =	swait.eq @!p0 [sflag:s5], $0x1  }
0xb2: {  	s4 =	sor.u32 @!p0 s4, s6;
	[sflag:s5] =	ssyncadd.s32 @!p0 $0xFFFFFFFF  }
0xb3: {  	s25 =	simm.s32 $0x1B8E;
	s24 =	sld [smem:$0x3FFE];
	[sflag:s4] =	ssyncadd.remote.s32 @!p0 $0x1  }
0xb4: {  	s26 =	simm.s32 $execute0_lowered;
	[smem:$0x3FD2] =	sst s25  }
0xb5: {  	s5 =	sshll.u32 s26, $0x1;
	_ =	strace $0x8000004C;
	[dreg:$0x1] =	wrdreg $0xFFFFFFFF  }
0xb6: {  	s28 =	simm.s32 $_size_execute0_lowered;
	s3 =	sadd.s32 s3, s5;
	[dreg:$0x0] =	wrdreg $0x0  }
0xb7: {  	s5 =	sshll.u32 s28, $0x1;
	[dreg:$0x2] =	wrdreg s3  }
0xb8: {  	[dreg:$0x3] =	wrdreg s5  }
0xb9: {  	[dreg:$0x4] =	wrdreg $0xC0  }
0xba: {  	_ =	task [dreg:s22], $0x5FFFF  }
0xbb: {  	[dreg:$0x1] =	wrdreg $0xFFFFFFFF  }
0xbc: {  	[dreg:$0x0] =	wrdreg $0x60  }
0xbd: {  	[dreg:$0x2] =	wrdreg s24  }
0xbe: {  	[dreg:$0x3] =	wrdreg $0xB  }
0xbf: {  	_ =	task.clear_ibuf [dreg:s22], $0x4FFFF;
	_ =	strace $0x9000004C  }
0xc0: {  	s29 =	simm.s32 $0xB;
	_ =	strace $0x8000004E  }
0xc1: {  	_ =	swait.ge [sflag:s29], $0x1  }
0xc2: {  	[sflag:s29] =	ssyncadd.s32 $0xFFFFFFFF  }
0xc3: {  	_ =	strace $0x9000004E  }
0xc4: {  	_ =	sfence  }
0xc5: {  	s30 =	sld [smem:$0x0];
	_ =	sdelay $0x2  }
0xc6: {  	s31 =	sshll.u32 s1, $0xD;
	s1 =	sshrl.u32 s1, $0x2  }
0xc7: {  	s4 =	sand.u32 $0x4000, s31;
	s1 =	sadd.s32 s1, s30  }
0xc8: {  	s0 =	sor.u32 s4, s0;
	s1 =	sshll.u32 s1, $0x11  }
0xc9: {  	s0 =	sor.u32 s1, s0  }
0xca: {  	s0 =	sadd.s32 $0x8F2B, s0  }
0xcb: {  	[sflag:s0] =	ssyncadd.remote.s32 $0x1  }
0xcc: {  	_ =	sfence.sel $0xFFFF  }
0xcd: {  	[dreg:$0x0] =	wrdreg $0xFFFFFFFF;
	(pc) =	sbr.abs _section_cstart, $3  }
0xce: {  	[dreg:$0x1] =	wrdreg $0xFFFFFFFF  }
0xcf: {  	_ =	task.clear_ibuf [dreg:s22], $0x2FFFF;
	_ =	strace $0x9FFFFFFF  }
0xd0: {  	(tm) =	ssettm $0x7FFFFFFF  }
0xd1: {  	_ =	shalt  }
tec
execute0_lowered:
.L_overlay_start_1:
0x0: {  	(tag) =	ssettag $0x1  }
0x1: {  	s0 =	rddreg [dreg:$0x0]  }
0x2: {  	s5 =	stileid.u32;
	s1 =	srdreg.scid  }
0x3: {  	s2 =	simm.s32 $0x0;
	s14 =	simm.s32 $0x880;
	s15 =	simm.s32 $0xC80  }
0x4: {  	s17 =	simm.s32 $0x1480;
	s18 =	simm.s32 $0x1880;
	s19 =	simm.s32 $0x2080  }
0x5: {  	s20 =	simm.s32 $0x2480;
	s21 =	simm.s32 $0x2C80;
	[smem:$0x7FF] =	sst s2  }
0x6: {  	s22 =	simm.s32 $0x3080;
	_ =	strace $0x8000004D;
	[dreg:$0x3] =	wrdreg s14  }
0x7: {  	s23 =	simm.s32 $0x3880;
	s25 =	simm.s32 $0x3C80;
	[dreg:$0x4] =	wrdreg s15  }
0x8: {  	s26 =	simm.s32 $0x4480;
	s8 =	simm.s32 $0x80;
	[dreg:$0x5] =	wrdreg s17  }
0x9: {  	s9 =	simm.s32 $0x4880;
	s10 =	simm.s32 $0x5080;
	[dreg:$0x6] =	wrdreg s18  }
0xa: {  	s11 =	simm.s32 $0x5480;
	s28 =	simm.s32 $0xB480;
	[dreg:$0x7] =	wrdreg s19  }
0xb: {  	s29 =	simm.s32 $0xBC80;
	s30 =	simm.s32 $0x1;
	[dreg:$0x8] =	wrdreg s20  }
0xc: {  	s31 =	simm.s32 $0x0;
	s3 =	sshll.u32 s5, $0x8;
	[dreg:$0x9] =	wrdreg s21  }
0xd: {  	s1 =	sand.u32 $0x1, s1;
	s12 =	smul.u32 $0x18000, s5;
	[dreg:$0xa] =	wrdreg s22  }
0xe: {  	s3 =	sadd.s32 s3, s0;
	s4 =	sshll.u32 s1, $0x7;
	[dreg:$0xb] =	wrdreg s23  }
0xf: {  	s16 =	ssub.s32 $0x2, s1;
	s1 =	smul.u32 $0xC000, s1;
	[dreg:$0xc] =	wrdreg s25  }
0x10: {  	[dreg:$0xd] =	wrdreg s26;
	s14 =	simm.s32 $0x6880;
	s15 =	simm.s32 $0x6C80  }
0x11: {  	s17 =	simm.s32 $0x7880;
	s18 =	simm.s32 $0x8080;
	s19 =	simm.s32 $0x8480  }
0x12: {  	s20 =	simm.s32 $0x8C80;
	s21 =	simm.s32 $0x9080;
	s22 =	simm.s32 $0x9880  }
0x13: {  	s23 =	simm.s32 $0x9C80;
	s25 =	simm.s32 $0xA880;
	s26 =	simm.s32 $0xB080  }
0x14: {  	s3 =	sadd.s32 s4, s3;
	s6 =	sadd.s32 s12, s0;
	s7 =	sshrl.u32 s16, $0x1  }
0x15: {  	s4 =	sadd.s32 $0x1DD00, s0;
	s12 =	simm.s32 $0x5C80;
	s13 =	sadd.s32 $0x37EC00, s3  }
0x16: {  	s3 =	sadd.s32 $0x1DC00, s0;
	s5 =	ssub.s32 s16, s7;
	s1 =	sadd.s32 s1, s6  }
0x17: {  	v2 =	vlaneseq.u32;
	s7 =	simm.s32 $0x2;
	[dreg:$0x2] =	wrdreg s13;
	s5 =	smax.u32 s5, $0x1  }
0x18: {  	vm0 =	vmmov $0xffff;
	vm1 =	vmmov $0xff;
	v1 =	vshrl.u32 v2, $0x3;
	s16 =	simm.s32 $0x7480;
	s24 =	sadd.s32 $0x37FC00, s1;
	[dreg:$0xe] =	wrdreg s5  }
0x19: {  	v0 =	vand.u32 $0x7, v2;
	v2 =	vor.u32 $0x8, v2;
	v1 =	vmul.u32 $0x8, v1;
	s13 =	simm.s32 $0x6080;
	[dreg:$0xf] =	wrdreg s24;
	s24 =	simm.s32 $0xA480  }
.LBB2_1:
0x1a: {  	s6 =	rddreg [dreg:$0xf];
	s1 =	simm.s32 $0x0  }
.LBB2_2:
0x1b: {  	s5 =	rddreg [dreg:$0x2]  }
0x1c: {  	s5 =	sadd.s32 s1, s5  }
0x1d: {  	[tilespmem:s2], [sflag:$0x2] =	stream.linear.gather [hbm4b:s5+s2], $0x80, $0x38;
	[tilespmem:$0xC080] =	vst v63  }
0x1e: {  	_ =	swait.ge [sflag:s7], $0x80  }
0x1f: {  	[sflag:s7] =	ssyncset.done $0x0  }
0x20: {  	[sflag:s7] =	ssyncadd.s32 $0xFFFFFF80  }
0x21: {  	v3 =	vld [tilespmem:$0x0];
	_ =	sdelay $0x4  }
0x22: {  	v4 =	vshrl.u32 v3, $0x3  }
0x23: {  	v4 =	vmul.u32 $0x18, v4  }
0x24: {  	v3 =	vand.u32 $0x7, v3  }
0x25: {  	v3 =	vor.u32 v3, v4  }
0x26: {  	v4 =	vperm.xlane v3, v0;
	_ =	sdelay $0x1  }
0x27: {  	v4 =	vadd.s32 v1, v4;
	_ =	sdelay $0x1  }
0x28: {  	v3 =	vperm.xlane v3, v2;
	_ =	sdelay $0x1  }
0x29: {  	v3 =	vadd.s32 v1, v3  }
0x2a: {  	[tilespmem:s8], [sflag:$0x1] =	stream.indirect_vreg.gather [hbm4b:s3+s2], $0x80, v4, vm0, $0xb8;
	[tilespmem:$0xC080] =	vst v63  }
0x2b: {  	s5 =	rddreg [dreg:$0x3]  }
0x2c: {  	[tilespmem:s5], [sflag:$0x1] =	stream.indirect_vreg.gather [hbm4b:s4+s2], $0x80, v4, vm1, $0xb8;
	[tilespmem:$0xC080] =	vst v63  }
0x2d: {  	s0 =	rddreg [dreg:$0x4]  }
0x2e: {  	[tilespmem:s0], [sflag:$0x1] =	stream.indirect_vreg.gather [hbm4b:s3+s2], $0x80, v3, vm0, $0xb8;
	[tilespmem:$0xC080] =	vst v63  }
0x2f: {  	s5 =	rddreg [dreg:$0x5]  }
0x30: {  	[tilespmem:s5], [sflag:$0x1] =	stream.indirect_vreg.gather [hbm4b:s4+s2], $0x80, v3, vm1, $0xb8;
	[tilespmem:$0xC080] =	vst v63  }
0x31: {  	v3 =	vld [tilespmem:$0x10];
	_ =	sdelay $0x4  }
0x32: {  	v57 =	vshrl.u32 v3, $0x3  }
0x33: {  	v4 =	vmul.u32 $0x18, v57  }
0x34: {  	v3 =	vand.u32 $0x7, v3  }
0x35: {  	v3 =	vor.u32 v3, v4  }
0x36: {  	v4 =	vperm.xlane v3, v0;
	_ =	sdelay $0x1  }
0x37: {  	v4 =	vadd.s32 v1, v4;
	_ =	sdelay $0x1  }
0x38: {  	v3 =	vperm.xlane v3, v2;
	_ =	sdelay $0x1  }
0x39: {  	s0 =	rddreg [dreg:$0x6];
	v3 =	vadd.s32 v1, v3  }
0x3a: {  	[tilespmem:s0], [sflag:$0x1] =	stream.indirect_vreg.gather [hbm4b:s3+s2], $0x80, v4, vm0, $0xb8;
	[tilespmem:$0xC080] =	vst v63  }
0x3b: {  	s5 =	rddreg [dreg:$0x7]  }
0x3c: {  	[tilespmem:s5], [sflag:$0x1] =	stream.indirect_vreg.gather [hbm4b:s4+s2], $0x80, v4, vm1, $0xb8;
	[tilespmem:$0xC080] =	vst v63  }
0x3d: {  	s0 =	rddreg [dreg:$0x8]  }
0x3e: {  	[tilespmem:s0], [sflag:$0x1] =	stream.indirect_vreg.gather [hbm4b:s3+s2], $0x80, v3, vm0, $0xb8;
	[tilespmem:$0xC080] =	vst v63  }
0x3f: {  	s5 =	rddreg [dreg:$0x9]  }
0x40: {  	[tilespmem:s5], [sflag:$0x1] =	stream.indirect_vreg.gather [hbm4b:s4+s2], $0x80, v3, vm1, $0xb8;
	[tilespmem:$0xC080] =	vst v63  }
0x41: {  	v3 =	vld [tilespmem:$0x20];
	_ =	sdelay $0x4  }
0x42: {  	v58 =	vshrl.u32 v3, $0x3  }
0x43: {  	v4 =	vmul.u32 $0x18, v58  }
0x44: {  	v3 =	vand.u32 $0x7, v3  }
0x45: {  	v3 =	vor.u32 v3, v4  }
0x46: {  	v4 =	vperm.xlane v3, v0;
	_ =	sdelay $0x1  }
0x47: {  	v4 =	vadd.s32 v1, v4;
	_ =	sdelay $0x1  }
0x48: {  	v3 =	vperm.xlane v3, v2;
	_ =	sdelay $0x1  }
0x49: {  	s0 =	rddreg [dreg:$0xa];
	v3 =	vadd.s32 v1, v3  }
0x4a: {  	[tilespmem:s0], [sflag:$0x1] =	stream.indirect_vreg.gather [hbm4b:s3+s2], $0x80, v4, vm0, $0xb8;
	[tilespmem:$0xC080] =	vst v63  }
0x4b: {  	s5 =	rddreg [dreg:$0xb]  }
0x4c: {  	[tilespmem:s5], [sflag:$0x1] =	stream.indirect_vreg.gather [hbm4b:s4+s2], $0x80, v4, vm1, $0xb8;
	[tilespmem:$0xC080] =	vst v63  }
0x4d: {  	s0 =	rddreg [dreg:$0xc]  }
0x4e: {  	[tilespmem:s0], [sflag:$0x1] =	stream.indirect_vreg.gather [hbm4b:s3+s2], $0x80, v3, vm0, $0xb8;
	[tilespmem:$0xC080] =	vst v63  }
0x4f: {  	s5 =	rddreg [dreg:$0xd]  }
0x50: {  	[tilespmem:s5], [sflag:$0x1] =	stream.indirect_vreg.gather [hbm4b:s4+s2], $0x80, v3, vm1, $0xb8;
	[tilespmem:$0xC080] =	vst v63  }
0x51: {  	v3 =	vld [tilespmem:$0x30];
	_ =	sdelay $0x4  }
0x52: {  	v59 =	vshrl.u32 v3, $0x3  }
0x53: {  	v4 =	vmul.u32 $0x18, v59  }
0x54: {  	v3 =	vand.u32 $0x7, v3  }
0x55: {  	v3 =	vor.u32 v3, v4  }
0x56: {  	v4 =	vperm.xlane v3, v0;
	_ =	sdelay $0x1  }
0x57: {  	v4 =	vadd.s32 v1, v4;
	_ =	sdelay $0x1  }
0x58: {  	v3 =	vperm.xlane v3, v2;
	_ =	sdelay $0x1  }
0x59: {  	v3 =	vadd.s32 v1, v3  }
0x5a: {  	[tilespmem:s9], [sflag:$0x1] =	stream.indirect_vreg.gather [hbm4b:s3+s2], $0x80, v4, vm0, $0xb8;
	[tilespmem:$0xC080] =	vst v63  }
0x5b: {  	_ = 	snop  }
0x5c: {  	[tilespmem:s10], [sflag:$0x1] =	stream.indirect_vreg.gather [hbm4b:s4+s2], $0x80, v4, vm1, $0xb8;
	[tilespmem:$0xC080] =	vst v63  }
0x5d: {  	_ = 	snop  }
0x5e: {  	[tilespmem:s11], [sflag:$0x1] =	stream.indirect_vreg.gather [hbm4b:s3+s2], $0x80, v3, vm0, $0xb8;
	[tilespmem:$0xC080] =	vst v63  }
0x5f: {  	_ = 	snop  }
0x60: {  	[tilespmem:s12], [sflag:$0x1] =	stream.indirect_vreg.gather [hbm4b:s4+s2], $0x80, v3, vm1, $0xb8;
	[tilespmem:$0xC080] =	vst v63  }
0x61: {  	v3 =	vld [tilespmem:$0x40];
	_ =	sdelay $0x4  }
0x62: {  	v60 =	vshrl.u32 v3, $0x3  }
0x63: {  	v4 =	vmul.u32 $0x18, v60  }
0x64: {  	v3 =	vand.u32 $0x7, v3  }
0x65: {  	v3 =	vor.u32 v3, v4  }
0x66: {  	v4 =	vperm.xlane v3, v0;
	_ =	sdelay $0x1  }
0x67: {  	v4 =	vadd.s32 v1, v4;
	_ =	sdelay $0x1  }
0x68: {  	v3 =	vperm.xlane v3, v2;
	_ =	sdelay $0x1  }
0x69: {  	v3 =	vadd.s32 v1, v3  }
0x6a: {  	[tilespmem:s13], [sflag:$0x1] =	stream.indirect_vreg.gather [hbm4b:s3+s2], $0x80, v4, vm0, $0xb8;
	[tilespmem:$0xC080] =	vst v63  }
0x6b: {  	_ = 	snop  }
0x6c: {  	[tilespmem:s14], [sflag:$0x1] =	stream.indirect_vreg.gather [hbm4b:s4+s2], $0x80, v4, vm1, $0xb8;
	[tilespmem:$0xC080] =	vst v63  }
0x6d: {  	_ = 	snop  }
0x6e: {  	[tilespmem:s15], [sflag:$0x1] =	stream.indirect_vreg.gather [hbm4b:s3+s2], $0x80, v3, vm0, $0xb8;
	[tilespmem:$0xC080] =	vst v63  }
0x6f: {  	_ = 	snop  }
0x70: {  	[tilespmem:s16], [sflag:$0x1] =	stream.indirect_vreg.gather [hbm4b:s4+s2], $0x80, v3, vm1, $0xb8;
	[tilespmem:$0xC080] =	vst v63  }
0x71: {  	v3 =	vld [tilespmem:$0x50];
	_ =	sdelay $0x4  }
0x72: {  	v61 =	vshrl.u32 v3, $0x3  }
0x73: {  	v4 =	vmul.u32 $0x18, v61  }
0x74: {  	v3 =	vand.u32 $0x7, v3  }
0x75: {  	v3 =	vor.u32 v3, v4  }
0x76: {  	v4 =	vperm.xlane v3, v0;
	_ =	sdelay $0x1  }
0x77: {  	v4 =	vadd.s32 v1, v4;
	_ =	sdelay $0x1  }
0x78: {  	v3 =	vperm.xlane v3, v2;
	_ =	sdelay $0x1  }
0x79: {  	v3 =	vadd.s32 v1, v3  }
0x7a: {  	[tilespmem:s17], [sflag:$0x1] =	stream.indirect_vreg.gather [hbm4b:s3+s2], $0x80, v4, vm0, $0xb8;
	[tilespmem:$0xC080] =	vst v63  }
0x7b: {  	_ = 	snop  }
0x7c: {  	[tilespmem:s18], [sflag:$0x1] =	stream.indirect_vreg.gather [hbm4b:s4+s2], $0x80, v4, vm1, $0xb8;
	[tilespmem:$0xC080] =	vst v63  }
0x7d: {  	_ = 	snop  }
0x7e: {  	[tilespmem:s19], [sflag:$0x1] =	stream.indirect_vreg.gather [hbm4b:s3+s2], $0x80, v3, vm0, $0xb8;
	[tilespmem:$0xC080] =	vst v63  }
0x7f: {  	_ = 	snop  }
0x80: {  	[tilespmem:s20], [sflag:$0x1] =	stream.indirect_vreg.gather [hbm4b:s4+s2], $0x80, v3, vm1, $0xb8;
	[tilespmem:$0xC080] =	vst v63  }
0x81: {  	v3 =	vld [tilespmem:$0x60];
	_ =	sdelay $0x4  }
0x82: {  	v62 =	vshrl.u32 v3, $0x3  }
0x83: {  	v4 =	vmul.u32 $0x18, v62  }
0x84: {  	v3 =	vand.u32 $0x7, v3  }
0x85: {  	v3 =	vor.u32 v3, v4  }
0x86: {  	v4 =	vperm.xlane v3, v0;
	_ =	sdelay $0x1  }
0x87: {  	v4 =	vadd.s32 v1, v4;
	_ =	sdelay $0x1  }
0x88: {  	v3 =	vperm.xlane v3, v2;
	_ =	sdelay $0x1  }
0x89: {  	v3 =	vadd.s32 v1, v3  }
0x8a: {  	[tilespmem:s21], [sflag:$0x1] =	stream.indirect_vreg.gather [hbm4b:s3+s2], $0x80, v4, vm0, $0xb8;
	[tilespmem:$0xC080] =	vst v63  }
0x8b: {  	_ = 	snop  }
0x8c: {  	[tilespmem:s22], [sflag:$0x1] =	stream.indirect_vreg.gather [hbm4b:s4+s2], $0x80, v4, vm1, $0xb8;
	[tilespmem:$0xC080] =	vst v63  }
0x8d: {  	_ = 	snop  }
0x8e: {  	[tilespmem:s23], [sflag:$0x1] =	stream.indirect_vreg.gather [hbm4b:s3+s2], $0x80, v3, vm0, $0xb8;
	[tilespmem:$0xC080] =	vst v63  }
0x8f: {  	_ = 	snop  }
0x90: {  	[tilespmem:s24], [sflag:$0x1] =	stream.indirect_vreg.gather [hbm4b:s4+s2], $0x80, v3, vm1, $0xb8;
	[tilespmem:$0xC080] =	vst v63  }
0x91: {  	v3 =	vld [tilespmem:$0x70];
	_ =	sdelay $0x4  }
0x92: {  	v63 =	vshrl.u32 v3, $0x3  }
0x93: {  	v4 =	vmul.u32 $0x18, v63  }
0x94: {  	v3 =	vand.u32 $0x7, v3  }
0x95: {  	v3 =	vor.u32 v3, v4  }
0x96: {  	v4 =	vperm.xlane v3, v0;
	_ =	sdelay $0x1  }
0x97: {  	v4 =	vadd.s32 v1, v4;
	_ =	sdelay $0x1  }
0x98: {  	v3 =	vperm.xlane v3, v2;
	_ =	sdelay $0x1  }
0x99: {  	v3 =	vadd.s32 v1, v3  }
0x9a: {  	[tilespmem:s25], [sflag:$0x1] =	stream.indirect_vreg.gather [hbm4b:s3+s2], $0x80, v4, vm0, $0xb8;
	[tilespmem:$0xC080] =	vst v63  }
0x9b: {  	_ = 	snop  }
0x9c: {  	[tilespmem:s26], [sflag:$0x1] =	stream.indirect_vreg.gather [hbm4b:s4+s2], $0x80, v4, vm1, $0xb8;
	[tilespmem:$0xC080] =	vst v63  }
0x9d: {  	_ = 	snop  }
0x9e: {  	[tilespmem:s28], [sflag:$0x1] =	stream.indirect_vreg.gather [hbm4b:s3+s2], $0x80, v3, vm0, $0xb8;
	[tilespmem:$0xC080] =	vst v63  }
0x9f: {  	_ = 	snop  }
0xa0: {  	[tilespmem:s29], [sflag:$0x1] =	stream.indirect_vreg.gather [hbm4b:s4+s2], $0x80, v3, vm1, $0xb8;
	[tilespmem:$0xC080] =	vst v63  }
0xa1: {  	_ =	swait.ge [sflag:s30], $0xC000  }
0xa2: {  	p0 =	sne.s32 s1, $0x70;
	[sflag:s30] =	ssyncset.done $0x0  }
.Ltmp0:
0xa3: {  	[sflag:s30] =	ssyncadd.s32 $0xFFFF4000;
	(pc) =	sbr.rel @p0 .LBB2_2-.Ltmp0, $4  }
0xa4: {  	[hbm4b:s6+s2] =	stream.linear.scatter [tilespmem:s8], [sflag:$0x2], $0xC000, $0x38;
	[tilespmem:$0xC080] =	vst v63  }
0xa5: {  	_ =	swait.ge [sflag:s7], $0xC000  }
0xa6: {  	[sflag:s7] =	ssyncset.done $0x0  }
0xa7: {  	s1 =	sadd.s32 $0x10, s1;
	s6 =	sadd.s32 $0x1800, s6;
	[sflag:s7] =	ssyncadd.s32 $0xFFFF4000  }
0xa8: {  	s31 =	sadd.s32 $0x1, s31;
	s0 =	rddreg [dreg:$0xe]  }
0xa9: {  	p0 =	sne.s32 s31, s0  }
.Ltmp1:
0xaa: {  	_ = 	snop;
	(pc) =	sbr.rel @p0 .LBB2_1-.Ltmp1, $1  }
0xab: {  	_ =	sdelay $0x3  }
0xac: {  	_ =	sfence.sel $0x180000  }
0xad: {  	[bflag:$0x0] =	sbarrier.arrive $0xFFFF  }
0xae: {  	_ =	strace $0x9000004D  }
0xaf: {  	s0 =	stileid.u32;
	[bflag:$0x2] =	sbarrier.arrive $0xFFFF  }
0xb0: {  	p0 =	sne.s32 s0, $0x0;
	s0 =	rddreg [dreg:$0x1]  }
0xb1: {  	s0 =	sadd.s32 @!p0 $0x100000, s0  }
0xb2: {  	[sflag:s0] =	ssyncadd.tile.s32 @!p0 $0x1;
	_ =	shalt  }
.Lfunc_end2:
_tile_overlayer_lowered:
.L_overlay_start_2:
0xb3: {  	(tag) =	ssettag $0x2  }
0xb4: {  	s0 =	rddreg [dreg:$0x0];
	s2 =	stileid.u32  }
0xb5: {  	s1 =	rddreg [dreg:$0x1];
	p0 =	sne.s32 s2, $0x0  }
0xb6: {  	s3 =	rddreg [dreg:$0x2];
	[bflag:$0x3] =	sbarrier.arrive $0xFFFF;
	s2 =	simm.s32 @!p0 $0x1C02  }
0xb7: {  	[timem:s3], [sflag:s2] =	dma.local @!p0 [hbm:s0], s1  }
0xb8: {  	s0 =	simm.s32 @!p0 $0x2  }
0xb9: {  	_ =	swait.ge @!p0 [sflag:s0], s1  }
0xba: {  	s1 =	ssub.s32 @!p0 $0x0, s1;
	[sflag:s0] =	ssyncset.done @!p0 $0x0  }
0xbb: {  	[sflag:s0] =	ssyncadd.s32 @!p0 s1  }
0xbc: {  	[bflag:$0x3] =	sbarrier.arrive $0xFFFF  }
0xbd: {  	_ =	shalt  }

// kernel: kernel.24.cloned.1.call-start
scs
__scs_entry_jumppad:
0x0: {  	(pc) =	sbr.rel $0x88, $3  }
0x1: {  	(tag) =	ssettag $0x0;
	lr =	simm.s32 $0x1  }
0x2: {  	[smem:$0x3F92] =	sst lr;
	_ =	strace $0xD0000000  }
0x3: {  	_ = 	snop  }
0x4: {  	_ = 	snop  }
0x5: {  	_ = 	snop  }
0x6: {  	_ = 	snop  }
0x7: {  	_ = 	snop  }
__scs_overlays_trampoline_lowered:
0x8: {  	[smem:$0x3FA1] =	sst s0  }
0x9: {  	[smem:$0x3FA2] =	sst s1  }
0xa: {  	[smem:$0x3FA3] =	sst s2  }
0xb: {  	[smem:$0x3FA4] =	sst s3  }
0xc: {  	[smem:$0x3FA5] =	sst s4  }
0xd: {  	[smem:$0x3FA6] =	sst s5  }
0xe: {  	[smem:$0x3FA7] =	sst s6  }
0xf: {  	[smem:$0x3FA8] =	sst s7  }
0x10: {  	[smem:$0x3FA9] =	sst s8  }
0x11: {  	[smem:$0x3FAA] =	sst s9;
	s0 =	simm.s32 @!p0 $0x0  }
0x12: {  	s1 =	sld [smem:$0x3F90];
	s0 =	simm.s32 @p0 $0x1  }
0x13: {  	[smem:$0x3FAB] =	sst s0;
	s0 =	simm.s32 @!p1 $0x0  }
0x14: {  	s2 =	sld [smem:$0x3F8F];
	s0 =	simm.s32 @p1 $0x1  }
0x15: {  	[smem:$0x3FAC] =	sst s0;
	s0 =	simm.s32 @!p2 $0x0  }
0x16: {  	s3 =	sld [smem:$0x3FDB];
	s0 =	simm.s32 @p2 $0x1  }
0x17: {  	s4 =	simm.s32 $0x1BF5;
	[smem:$0x3FAE] =	sst s0  }
0x18: {  	s0 =	sld [smem:$0x3F91];
	_ =	swait.ge [sflag:s4], $0x0  }
0x19: {  	s7 =	sld [smem:$0x3F92]  }
0x1a: {  	s8 =	sadd.s32 $0xFFFFE003, lr  }
0x1b: {  	s9 =	sadd.s32 $0xFFFFFEF7, lr;
	s5 =	simm.s32 $0xFFFFFFFF;
	p2 =	slt.u32 s8, $0xFFFFF086  }
0x1c: {  	p1 =	slt.u32 s9, $0xF7A;
	s5 =	simm.s32 @!p2 $0x0  }
0x1d: {  	s5 =	simm.s32 @p1 $0x1;
	p0 =	seq.s32 s7, s2  }
0x1e: {  	s7 =	smul.u32 @!p0 $0xF7A, s2;
	p2 =	seq.s32 @!p0 s5, $0x0  }
0x1f: {  	s9 =	smul.u32 $0xF7A, s1;
	s8 =	simm.s32 @!p0 $0x1BF5;
	p2 =	por !p2, p0  }
0x20: {  	[sflag:s8] =	ssyncset.s32 @!p0 $0xFFFFF086;
	s6 =	sadd.s32 @!p0 s3, s7;
	s7 =	simm.s32 @!p0 $0x108  }
0x21: {  	s3 =	sadd.s32 s3, s9;
	s6 =	sadd.s32 @!p0 $0x88, s6;
	s7 =	simm.s32 @p2 $0x1082  }
0x22: {  	[simem:s7], [sflag:s8] =	dma.local @!p0 [hbm:s6], $0xF7A  }
0x23: {  	s9 =	sor.u32 $0xD0000000, s2;
	s6 =	simm.s32 $0x108;
	_ =	swait.ge @!p0 [sflag:s8], $0x0  }
0x24: {  	s3 =	sadd.s32 $0x88, s3;
	s6 =	simm.s32 @!p1 $0x1082;
	[sflag:s4] =	ssyncset.s32 $0xFFFFF086  }
0x25: {  	[simem:s6], [sflag:s4] =	dma.local [hbm:s3], $0xF7A  }
0x26: {  	[smem:$0x3F92] =	sst s1;
	(tag) =	ssettag s2;
	_ =	strace s9  }
0x27: {  	s1 =	sld [smem:$0x3FA2]  }
0x28: {  	s2 =	sld [smem:$0x3FA3]  }
0x29: {  	s4 =	sld [smem:$0x3FA5]  }
0x2a: {  	p0 =	seq.s32 s5, $0x0;
	s5 =	sld [smem:$0x3FA6]  }
0x2b: {  	s6 =	sld [smem:$0x3FA7]  }
0x2c: {  	s7 =	sld [smem:$0x3FA8]  }
0x2d: {  	s3 =	simm.s32 $0x108;
	s8 =	sld [smem:$0x3FA9]  }
0x2e: {  	s3 =	simm.s32 @!p0 $0x1082;
	s9 =	sld [smem:$0x3FAA]  }
0x2f: {  	lr =	sadd.s32 s0, s3;
	s0 =	sld [smem:$0x3FA1]  }
0x30: {  	s3 =	sld [smem:$0x3FA4]  }
0x31: {  	[smem:$0x3FAD] =	sst s10  }
0x32: {  	s10 =	sld [smem:$0x3FAB];
	_ =	sdelay $0x3  }
0x33: {  	p0 =	seq.s32 s10, $0x1;
	s10 =	sld [smem:$0x3FAD];
	_ =	sdelay $0x3  }
0x34: {  	[smem:$0x3FAD] =	sst s10  }
0x35: {  	s10 =	sld [smem:$0x3FAC];
	_ =	sdelay $0x3  }
0x36: {  	p1 =	seq.s32 s10, $0x1;
	s10 =	sld [smem:$0x3FAD];
	_ =	sdelay $0x3  }
0x37: {  	[smem:$0x3FAD] =	sst s10  }
0x38: {  	s10 =	sld [smem:$0x3FAE]  }
0x39: {  	_ = 	snop;
	(pc) =	sbr.ind lr, $3  }
0x3a: {  	_ = 	snop  }
0x3b: {  	_ = 	snop  }
0x3c: {  	p2 =	seq.s32 s10, $0x1;
	s10 =	sld [smem:$0x3FAD]  }
0x3d: {  	_ =	shalt  }
0x3e: {  	_ =	shalt  }
0x3f: {  	_ =	shalt  }
0x40: {  	_ =	shalt  }
0x41: {  	_ =	shalt  }
0x42: {  	_ =	shalt  }
0x43: {  	_ =	shalt  }
0x44: {  	_ =	shalt  }
0x45: {  	_ =	shalt  }
0x46: {  	_ =	shalt  }
0x47: {  	_ =	shalt  }
0x48: {  	_ =	shalt  }
0x49: {  	_ =	shalt  }
0x4a: {  	_ =	shalt  }
0x4b: {  	_ =	shalt  }
0x4c: {  	_ =	shalt  }
0x4d: {  	_ =	shalt  }
0x4e: {  	_ =	shalt  }
0x4f: {  	_ =	shalt  }
0x50: {  	_ =	shalt  }
0x51: {  	_ =	shalt  }
0x52: {  	_ =	shalt  }
0x53: {  	_ =	shalt  }
0x54: {  	_ =	shalt  }
0x55: {  	_ =	shalt  }
0x56: {  	_ =	shalt  }
0x57: {  	_ =	shalt  }
0x58: {  	_ =	shalt  }
0x59: {  	_ =	shalt  }
0x5a: {  	_ =	shalt  }
0x5b: {  	_ =	shalt  }
0x5c: {  	_ =	shalt  }
0x5d: {  	_ =	shalt  }
0x5e: {  	_ =	shalt  }
0x5f: {  	_ =	shalt  }
0x60: {  	_ =	shalt  }
0x61: {  	_ =	shalt  }
0x62: {  	_ =	shalt  }
0x63: {  	_ =	shalt  }
0x64: {  	_ =	shalt  }
0x65: {  	_ =	shalt  }
0x66: {  	_ =	shalt  }
0x67: {  	_ =	shalt  }
0x68: {  	_ =	shalt  }
0x69: {  	_ =	shalt  }
0x6a: {  	_ =	shalt  }
0x6b: {  	_ =	shalt  }
0x6c: {  	_ =	shalt  }
0x6d: {  	_ =	shalt  }
0x6e: {  	_ =	shalt  }
0x6f: {  	_ =	shalt  }
0x70: {  	_ =	shalt  }
0x71: {  	_ =	shalt  }
0x72: {  	_ =	shalt  }
0x73: {  	_ =	shalt  }
0x74: {  	_ =	shalt  }
0x75: {  	_ =	shalt  }
0x76: {  	_ =	shalt  }
0x77: {  	_ =	shalt  }
0x78: {  	_ =	shalt  }
0x79: {  	_ =	shalt  }
0x7a: {  	_ =	shalt  }
0x7b: {  	_ =	shalt  }
0x7c: {  	_ =	shalt  }
0x7d: {  	_ =	shalt  }
0x7e: {  	_ =	shalt  }
0x7f: {  	_ =	shalt  }
0x80: {  	_ =	shalt  }
0x81: {  	_ =	shalt  }
0x82: {  	_ =	shalt  }
0x83: {  	_ =	shalt  }
0x84: {  	_ =	shalt  }
0x85: {  	_ =	shalt  }
0x86: {  	_ =	shalt  }
0x87: {  	_ =	shalt  }
.Lfunc_end0:
.L_simem_size_0:
called_computation.3_lowered:
.L_overlay_start_0:
0x88: {  	s2 =	sld [smem:$0x3FD9]  }
0x89: {  	s3 =	sld [smem:$0x3FFE];
	_ =	sdelay $0x1  }
0x8a: {  	s1 =	srdreg.scid  }
0x8b: {  	s0 =	sand.u32 $0x1, s1  }
0x8c: {  	s17 =	sshll.u32 s0, $0xA;
	s2 =	sadd.s32 s3, s2  }
0x8d: {  	s2 =	sadd.s32 s2, s17  }
0x8e: {  	[smem:$0x3FB9] =	sst s2  }
0x8f: {  	_ = 	snop  }
0x90: {  	s18 =	sld [smem:$0x3FD0];
	(tm) =	ssettm $0x1  }
0x91: {  	s19 =	sld [smem:$0x3FFB];
	_ =	sdelay $0x3  }
0x92: {  	_ =	strace s19  }
0x93: {  	s2 =	sld [smem:$0x3FFC];
	_ =	sdelay $0x3  }
0x94: {  	_ =	strace s2  }
0x95: {  	s2 =	sld [smem:$0x3FFD];
	_ =	sdelay $0x3  }
0x96: {  	_ =	strace s2  }
0x97: {  	_ =	strace $0x8FFFFFFF  }
0x98: {  	s20 =	sld [smem:$0x3FDB];
	_ =	sdelay $0x1  }
0x99: {  	s4 =	simm.s32 $_scs_section_size  }
0x9a: {  	s5 =	simm.s32 $_size__tile_overlayer_lowered;
	s6 =	simm.s32 $_tile_overlayer_lowered  }
0x9b: {  	s7 =	simm.s32 $0x1BFF;
	s21 =	sshll.u32 s6, $0x1;
	s4 =	sadd.s32 s4, s20  }
0x9c: {  	s22 =	simm.s32 $0x0;
	s5 =	sshll.u32 s5, $0x1;
	s6 =	sadd.s32 s21, s4  }
0x9d: {  	[timem:s22], [sflag:s7] =	dma.local [hbm:s6], s5  }
0x9e: {  	_ =	swait.ge [sflag:s7], s5  }
0x9f: {  	s5 =	ssub.s32 $0x0, s5;
	[sflag:s7] =	ssyncset.done $0x0  }
0xa0: {  	[sflag:s7] =	ssyncadd.s32 s5;
	_ =	sdelay $0x1  }
0xa1: {  	s23 =	simm.s32 $0x1B8B  }
0xa2: {  	_ =	swait.ge [sflag:s23], $0x1  }
0xa3: {  	[sflag:s23] =	ssyncset.done $0x0  }
0xa4: {  	[sflag:s23] =	ssyncadd.s32 $0xFFFFFFFF  }
0xa5: {  	s5 =	sld [smem:$0x0]  }
0xa6: {  	s6 =	sand.u32 $0xFFFFFFFE, s1  }
0xa7: {  	p0 =	sne.s32 s1, s6  }
0xa8: {  	s6 =	sshll.u32 @p0 s6, $0xE  }
0xa9: {  	s6 =	sadd.s32 @p0 $0x11B8D, s6;
	s7 =	sshll.u32 @p0 s5, $0x11  }
0xaa: {  	s6 =	sor.u32 @p0 s7, s6  }
0xab: {  	[sflag:s6] =	ssyncadd.remote.s32 @p0 $0x1;
	_ =	sdelay $0x1  }
0xac: {  	s6 =	simm.s32 @p0 $0x1B8D  }
0xad: {  	_ =	swait.eq @p0 [sflag:s6], $0x1  }
0xae: {  	[sflag:s6] =	ssyncadd.s32 @p0 $0xFFFFFFFF  }
0xaf: {  	s7 =	sshll.u32 @!p0 s1, $0xE  }
0xb0: {  	s7 =	sor.u32 @!p0 $0x4000, s7;
	s6 =	simm.s32 @!p0 $0x1B8D  }
0xb1: {  	s5 =	sshll.u32 @!p0 s5, $0x11;
	s7 =	sadd.s32 @!p0 $0x11B8D, s7;
	_ =	swait.eq @!p0 [sflag:s6], $0x1  }
0xb2: {  	s5 =	sor.u32 @!p0 s5, s7;
	[sflag:s6] =	ssyncadd.s32 @!p0 $0xFFFFFFFF  }
0xb3: {  	s25 =	simm.s32 $0x1B8E;
	s24 =	sld [smem:$0x3FFE];
	[sflag:s5] =	ssyncadd.remote.s32 @!p0 $0x1  }
0xb4: {  	s26 =	simm.s32 $execute0_lowered;
	[smem:$0x3FD2] =	sst s25  }
0xb5: {  	s6 =	sshll.u32 s26, $0x1;
	_ =	strace $0x8000004F;
	[dreg:$0x1] =	wrdreg $0xFFFFFFFF  }
0xb6: {  	s28 =	simm.s32 $_size_execute0_lowered;
	s4 =	sadd.s32 s4, s6;
	[dreg:$0x0] =	wrdreg $0x0  }
0xb7: {  	s6 =	sshll.u32 s28, $0x1;
	[dreg:$0x2] =	wrdreg s4  }
0xb8: {  	[dreg:$0x3] =	wrdreg s6  }
0xb9: {  	[dreg:$0x4] =	wrdreg $0xC0  }
0xba: {  	_ =	task [dreg:s22], $0x5FFFF  }
0xbb: {  	[dreg:$0x1] =	wrdreg $0xFFFFFFFF  }
0xbc: {  	[dreg:$0x0] =	wrdreg $0x60  }
0xbd: {  	[dreg:$0x2] =	wrdreg s24  }
0xbe: {  	[dreg:$0x3] =	wrdreg s18  }
0xbf: {  	[dreg:$0x4] =	wrdreg $0xC  }
0xc0: {  	_ =	task.clear_ibuf [dreg:s22], $0x5FFFF;
	_ =	strace $0x9000004F  }
0xc1: {  	s29 =	simm.s32 $0xC;
	_ =	strace $0x80000051  }
0xc2: {  	_ =	swait.ge [sflag:s29], $0x1  }
0xc3: {  	[sflag:s29] =	ssyncadd.s32 $0xFFFFFFFF  }
0xc4: {  	_ =	strace $0x90000051  }
0xc5: {  	_ =	sfence  }
0xc6: {  	s30 =	sld [smem:$0x0];
	_ =	sdelay $0x2  }
0xc7: {  	s31 =	sshll.u32 s1, $0xD;
	s1 =	sshrl.u32 s1, $0x2  }
0xc8: {  	s4 =	sand.u32 $0x4000, s31;
	s1 =	sadd.s32 s1, s30  }
0xc9: {  	s0 =	sor.u32 s4, s0;
	s1 =	sshll.u32 s1, $0x11  }
0xca: {  	s0 =	sor.u32 s1, s0  }
0xcb: {  	s0 =	sadd.s32 $0x8F2B, s0  }
0xcc: {  	[sflag:s0] =	ssyncadd.remote.s32 $0x1  }
0xcd: {  	_ =	sfence.sel $0xFFFF  }
0xce: {  	[dreg:$0x0] =	wrdreg $0xFFFFFFFF;
	(pc) =	sbr.abs _section_cstart, $3  }
0xcf: {  	[dreg:$0x1] =	wrdreg $0xFFFFFFFF  }
0xd0: {  	_ =	task.clear_ibuf [dreg:s22], $0x2FFFF;
	_ =	strace $0x9FFFFFFF  }
0xd1: {  	(tm) =	ssettm $0x7FFFFFFF  }
tec
execute0_lowered:
.L_overlay_start_1:
0x0: {  	(tag) =	ssettag $0x1  }
0x1: {  	s0 =	rddreg [dreg:$0x0]  }
0x2: {  	s1 =	rddreg [dreg:$0x1];
	s6 =	stileid.u32  }
0x3: {  	s3 =	srdreg.scid;
	s2 =	simm.s32 $0x0;
	s12 =	simm.s32 $0x880  }
0x4: {  	s13 =	simm.s32 $0xC80;
	s15 =	simm.s32 $0x1480;
	s16 =	simm.s32 $0x1880  }
0x5: {  	s17 =	simm.s32 $0x2080;
	s18 =	simm.s32 $0x2480;
	[smem:$0x7FF] =	sst s2  }
0x6: {  	s20 =	simm.s32 $0x2C80;
	_ =	strace $0x80000050;
	[dreg:$0x4] =	wrdreg s12  }
0x7: {  	s22 =	simm.s32 $0x3080;
	s23 =	simm.s32 $0x3880;
	[dreg:$0x5] =	wrdreg s13  }
0x8: {  	s25 =	simm.s32 $0x3C80;
	s26 =	simm.s32 $0x4480;
	[dreg:$0x6] =	wrdreg s15  }
0x9: {  	s8 =	simm.s32 $0x80;
	s9 =	simm.s32 $0x4880;
	[dreg:$0x7] =	wrdreg s16  }
0xa: {  	s10 =	simm.s32 $0x5080;
	s28 =	simm.s32 $0xB480;
	[dreg:$0x8] =	wrdreg s17  }
0xb: {  	s29 =	simm.s32 $0xBC80;
	s30 =	simm.s32 $0x1;
	[dreg:$0x9] =	wrdreg s18  }
0xc: {  	s31 =	simm.s32 $0x0;
	s5 =	sand.u32 $0x1, s3;
	[dreg:$0xa] =	wrdreg s20  }
0xd: {  	s11 =	sshll.u32 s6, $0x8;
	s6 =	smul.u32 $0x18000, s6;
	[dreg:$0xb] =	wrdreg s22  }
0xe: {  	s3 =	sadd.s32 $0x1DC00, s0;
	s4 =	sshll.u32 s5, $0x7;
	[dreg:$0xc] =	wrdreg s23  }
0xf: {  	s1 =	sadd.s32 s11, s1;
	s14 =	ssub.s32 $0x2, s5;
	[dreg:$0xd] =	wrdreg s25  }
0x10: {  	s19 =	smul.u32 $0xC000, s5;
	[dreg:$0xe] =	wrdreg s26;
	s11 =	simm.s32 $0x5480  }
0x11: {  	s12 =	simm.s32 $0x5C80;
	s13 =	simm.s32 $0x6080;
	s15 =	simm.s32 $0x6C80  }
0x12: {  	s16 =	simm.s32 $0x7480;
	s17 =	simm.s32 $0x7880;
	s18 =	simm.s32 $0x8080  }
0x13: {  	s20 =	simm.s32 $0x8C80;
	s22 =	simm.s32 $0x9880;
	s23 =	simm.s32 $0x9C80  }
0x14: {  	s25 =	simm.s32 $0xA880;
	s26 =	simm.s32 $0xB080;
	s1 =	sadd.s32 s4, s1  }
0x15: {  	s6 =	sadd.s32 s6, s0;
	s7 =	sshrl.u32 s14, $0x1;
	s4 =	sadd.s32 $0x1DD00, s0  }
0x16: {  	[dreg:$0x3] =	wrdreg s1;
	s7 =	ssub.s32 s14, s7;
	s1 =	sadd.s32 s19, s6  }
0x17: {  	v2 =	vlaneseq.u32;
	s14 =	simm.s32 $0x6880;
	s19 =	simm.s32 $0x8480;
	s21 =	smax.u32 s7, $0x1  }
0x18: {  	vm0 =	vmmov $0xffff;
	vm1 =	vmmov $0xff;
	v1 =	vshrl.u32 v2, $0x3;
	s24 =	sadd.s32 $0x4FFC00, s1;
	s7 =	simm.s32 $0x2;
	[dreg:$0xf] =	wrdreg s21  }
0x19: {  	v0 =	vand.u32 $0x7, v2;
	v2 =	vor.u32 $0x8, v2;
	v1 =	vmul.u32 $0x8, v1;
	[dreg:$0x10] =	wrdreg s24;
	s21 =	simm.s32 $0x9080;
	s24 =	simm.s32 $0xA480  }
.LBB2_1:
0x1a: {  	s6 =	rddreg [dreg:$0x10];
	s1 =	simm.s32 $0x0  }
.LBB2_2:
0x1b: {  	s5 =	rddreg [dreg:$0x3]  }
0x1c: {  	s5 =	sadd.s32 s1, s5  }
0x1d: {  	[tilespmem:s2], [sflag:$0x2] =	stream.linear.gather [hbm4b:s5+s2], $0x80, $0x38;
	[tilespmem:$0xC080] =	vst v63  }
0x1e: {  	_ =	swait.ge [sflag:s7], $0x80  }
0x1f: {  	[sflag:s7] =	ssyncset.done $0x0  }
0x20: {  	[sflag:s7] =	ssyncadd.s32 $0xFFFFFF80  }
0x21: {  	v3 =	vld [tilespmem:$0x0];
	_ =	sdelay $0x4  }
0x22: {  	v4 =	vshrl.u32 v3, $0x3  }
0x23: {  	v4 =	vmul.u32 $0x18, v4  }
0x24: {  	v3 =	vand.u32 $0x7, v3  }
0x25: {  	v3 =	vor.u32 v3, v4  }
0x26: {  	v4 =	vperm.xlane v3, v0;
	_ =	sdelay $0x1  }
0x27: {  	v4 =	vadd.s32 v1, v4;
	_ =	sdelay $0x1  }
0x28: {  	v3 =	vperm.xlane v3, v2;
	_ =	sdelay $0x1  }
0x29: {  	v3 =	vadd.s32 v1, v3  }
0x2a: {  	[tilespmem:s8], [sflag:$0x1] =	stream.indirect_vreg.gather [hbm4b:s3+s2], $0x80, v4, vm0, $0xb8;
	[tilespmem:$0xC080] =	vst v63  }
0x2b: {  	s5 =	rddreg [dreg:$0x4]  }
0x2c: {  	[tilespmem:s5], [sflag:$0x1] =	stream.indirect_vreg.gather [hbm4b:s4+s2], $0x80, v4, vm1, $0xb8;
	[tilespmem:$0xC080] =	vst v63  }
0x2d: {  	s0 =	rddreg [dreg:$0x5]  }
0x2e: {  	[tilespmem:s0], [sflag:$0x1] =	stream.indirect_vreg.gather [hbm4b:s3+s2], $0x80, v3, vm0, $0xb8;
	[tilespmem:$0xC080] =	vst v63  }
0x2f: {  	s5 =	rddreg [dreg:$0x6]  }
0x30: {  	[tilespmem:s5], [sflag:$0x1] =	stream.indirect_vreg.gather [hbm4b:s4+s2], $0x80, v3, vm1, $0xb8;
	[tilespmem:$0xC080] =	vst v63  }
0x31: {  	v3 =	vld [tilespmem:$0x10];
	_ =	sdelay $0x4  }
0x32: {  	v57 =	vshrl.u32 v3, $0x3  }
0x33: {  	v4 =	vmul.u32 $0x18, v57  }
0x34: {  	v3 =	vand.u32 $0x7, v3  }
0x35: {  	v3 =	vor.u32 v3, v4  }
0x36: {  	v4 =	vperm.xlane v3, v0;
	_ =	sdelay $0x1  }
0x37: {  	v4 =	vadd.s32 v1, v4;
	_ =	sdelay $0x1  }
0x38: {  	v3 =	vperm.xlane v3, v2;
	_ =	sdelay $0x1  }
0x39: {  	s0 =	rddreg [dreg:$0x7];
	v3 =	vadd.s32 v1, v3  }
0x3a: {  	[tilespmem:s0], [sflag:$0x1] =	stream.indirect_vreg.gather [hbm4b:s3+s2], $0x80, v4, vm0, $0xb8;
	[tilespmem:$0xC080] =	vst v63  }
0x3b: {  	s5 =	rddreg [dreg:$0x8]  }
0x3c: {  	[tilespmem:s5], [sflag:$0x1] =	stream.indirect_vreg.gather [hbm4b:s4+s2], $0x80, v4, vm1, $0xb8;
	[tilespmem:$0xC080] =	vst v63  }
0x3d: {  	s0 =	rddreg [dreg:$0x9]  }
0x3e: {  	[tilespmem:s0], [sflag:$0x1] =	stream.indirect_vreg.gather [hbm4b:s3+s2], $0x80, v3, vm0, $0xb8;
	[tilespmem:$0xC080] =	vst v63  }
0x3f: {  	s5 =	rddreg [dreg:$0xa]  }
0x40: {  	[tilespmem:s5], [sflag:$0x1] =	stream.indirect_vreg.gather [hbm4b:s4+s2], $0x80, v3, vm1, $0xb8;
	[tilespmem:$0xC080] =	vst v63  }
0x41: {  	v3 =	vld [tilespmem:$0x20];
	_ =	sdelay $0x4  }
0x42: {  	v58 =	vshrl.u32 v3, $0x3  }
0x43: {  	v4 =	vmul.u32 $0x18, v58  }
0x44: {  	v3 =	vand.u32 $0x7, v3  }
0x45: {  	v3 =	vor.u32 v3, v4  }
0x46: {  	v4 =	vperm.xlane v3, v0;
	_ =	sdelay $0x1  }
0x47: {  	v4 =	vadd.s32 v1, v4;
	_ =	sdelay $0x1  }
0x48: {  	v3 =	vperm.xlane v3, v2;
	_ =	sdelay $0x1  }
0x49: {  	s0 =	rddreg [dreg:$0xb];
	v3 =	vadd.s32 v1, v3  }
0x4a: {  	[tilespmem:s0], [sflag:$0x1] =	stream.indirect_vreg.gather [hbm4b:s3+s2], $0x80, v4, vm0, $0xb8;
	[tilespmem:$0xC080] =	vst v63  }
0x4b: {  	s5 =	rddreg [dreg:$0xc]  }
0x4c: {  	[tilespmem:s5], [sflag:$0x1] =	stream.indirect_vreg.gather [hbm4b:s4+s2], $0x80, v4, vm1, $0xb8;
	[tilespmem:$0xC080] =	vst v63  }
0x4d: {  	s0 =	rddreg [dreg:$0xd]  }
0x4e: {  	[tilespmem:s0], [sflag:$0x1] =	stream.indirect_vreg.gather [hbm4b:s3+s2], $0x80, v3, vm0, $0xb8;
	[tilespmem:$0xC080] =	vst v63  }
0x4f: {  	s5 =	rddreg [dreg:$0xe]  }
0x50: {  	[tilespmem:s5], [sflag:$0x1] =	stream.indirect_vreg.gather [hbm4b:s4+s2], $0x80, v3, vm1, $0xb8;
	[tilespmem:$0xC080] =	vst v63  }
0x51: {  	v3 =	vld [tilespmem:$0x30];
	_ =	sdelay $0x4  }
0x52: {  	v59 =	vshrl.u32 v3, $0x3  }
0x53: {  	v4 =	vmul.u32 $0x18, v59  }
0x54: {  	v3 =	vand.u32 $0x7, v3  }
0x55: {  	v3 =	vor.u32 v3, v4  }
0x56: {  	v4 =	vperm.xlane v3, v0;
	_ =	sdelay $0x1  }
0x57: {  	v4 =	vadd.s32 v1, v4;
	_ =	sdelay $0x1  }
0x58: {  	v3 =	vperm.xlane v3, v2;
	_ =	sdelay $0x1  }
0x59: {  	v3 =	vadd.s32 v1, v3  }
0x5a: {  	[tilespmem:s9], [sflag:$0x1] =	stream.indirect_vreg.gather [hbm4b:s3+s2], $0x80, v4, vm0, $0xb8;
	[tilespmem:$0xC080] =	vst v63  }
0x5b: {  	_ = 	snop  }
0x5c: {  	[tilespmem:s10], [sflag:$0x1] =	stream.indirect_vreg.gather [hbm4b:s4+s2], $0x80, v4, vm1, $0xb8;
	[tilespmem:$0xC080] =	vst v63  }
0x5d: {  	_ = 	snop  }
0x5e: {  	[tilespmem:s11], [sflag:$0x1] =	stream.indirect_vreg.gather [hbm4b:s3+s2], $0x80, v3, vm0, $0xb8;
	[tilespmem:$0xC080] =	vst v63  }
0x5f: {  	_ = 	snop  }
0x60: {  	[tilespmem:s12], [sflag:$0x1] =	stream.indirect_vreg.gather [hbm4b:s4+s2], $0x80, v3, vm1, $0xb8;
	[tilespmem:$0xC080] =	vst v63  }
0x61: {  	v3 =	vld [tilespmem:$0x40];
	_ =	sdelay $0x4  }
0x62: {  	v60 =	vshrl.u32 v3, $0x3  }
0x63: {  	v4 =	vmul.u32 $0x18, v60  }
0x64: {  	v3 =	vand.u32 $0x7, v3  }
0x65: {  	v3 =	vor.u32 v3, v4  }
0x66: {  	v4 =	vperm.xlane v3, v0;
	_ =	sdelay $0x1  }
0x67: {  	v4 =	vadd.s32 v1, v4;
	_ =	sdelay $0x1  }
0x68: {  	v3 =	vperm.xlane v3, v2;
	_ =	sdelay $0x1  }
0x69: {  	v3 =	vadd.s32 v1, v3  }
0x6a: {  	[tilespmem:s13], [sflag:$0x1] =	stream.indirect_vreg.gather [hbm4b:s3+s2], $0x80, v4, vm0, $0xb8;
	[tilespmem:$0xC080] =	vst v63  }
0x6b: {  	_ = 	snop  }
0x6c: {  	[tilespmem:s14], [sflag:$0x1] =	stream.indirect_vreg.gather [hbm4b:s4+s2], $0x80, v4, vm1, $0xb8;
	[tilespmem:$0xC080] =	vst v63  }
0x6d: {  	_ = 	snop  }
0x6e: {  	[tilespmem:s15], [sflag:$0x1] =	stream.indirect_vreg.gather [hbm4b:s3+s2], $0x80, v3, vm0, $0xb8;
	[tilespmem:$0xC080] =	vst v63  }
0x6f: {  	_ = 	snop  }
0x70: {  	[tilespmem:s16], [sflag:$0x1] =	stream.indirect_vreg.gather [hbm4b:s4+s2], $0x80, v3, vm1, $0xb8;
	[tilespmem:$0xC080] =	vst v63  }
0x71: {  	v3 =	vld [tilespmem:$0x50];
	_ =	sdelay $0x4  }
0x72: {  	v61 =	vshrl.u32 v3, $0x3  }
0x73: {  	v4 =	vmul.u32 $0x18, v61  }
0x74: {  	v3 =	vand.u32 $0x7, v3  }
0x75: {  	v3 =	vor.u32 v3, v4  }
0x76: {  	v4 =	vperm.xlane v3, v0;
	_ =	sdelay $0x1  }
0x77: {  	v4 =	vadd.s32 v1, v4;
	_ =	sdelay $0x1  }
0x78: {  	v3 =	vperm.xlane v3, v2;
	_ =	sdelay $0x1  }
0x79: {  	v3 =	vadd.s32 v1, v3  }
0x7a: {  	[tilespmem:s17], [sflag:$0x1] =	stream.indirect_vreg.gather [hbm4b:s3+s2], $0x80, v4, vm0, $0xb8;
	[tilespmem:$0xC080] =	vst v63  }
0x7b: {  	_ = 	snop  }
0x7c: {  	[tilespmem:s18], [sflag:$0x1] =	stream.indirect_vreg.gather [hbm4b:s4+s2], $0x80, v4, vm1, $0xb8;
	[tilespmem:$0xC080] =	vst v63  }
0x7d: {  	_ = 	snop  }
0x7e: {  	[tilespmem:s19], [sflag:$0x1] =	stream.indirect_vreg.gather [hbm4b:s3+s2], $0x80, v3, vm0, $0xb8;
	[tilespmem:$0xC080] =	vst v63  }
0x7f: {  	_ = 	snop  }
0x80: {  	[tilespmem:s20], [sflag:$0x1] =	stream.indirect_vreg.gather [hbm4b:s4+s2], $0x80, v3, vm1, $0xb8;
	[tilespmem:$0xC080] =	vst v63  }
0x81: {  	v3 =	vld [tilespmem:$0x60];
	_ =	sdelay $0x4  }
0x82: {  	v62 =	vshrl.u32 v3, $0x3  }
0x83: {  	v4 =	vmul.u32 $0x18, v62  }
0x84: {  	v3 =	vand.u32 $0x7, v3  }
0x85: {  	v3 =	vor.u32 v3, v4  }
0x86: {  	v4 =	vperm.xlane v3, v0;
	_ =	sdelay $0x1  }
0x87: {  	v4 =	vadd.s32 v1, v4;
	_ =	sdelay $0x1  }
0x88: {  	v3 =	vperm.xlane v3, v2;
	_ =	sdelay $0x1  }
0x89: {  	v3 =	vadd.s32 v1, v3  }
0x8a: {  	[tilespmem:s21], [sflag:$0x1] =	stream.indirect_vreg.gather [hbm4b:s3+s2], $0x80, v4, vm0, $0xb8;
	[tilespmem:$0xC080] =	vst v63  }
0x8b: {  	_ = 	snop  }
0x8c: {  	[tilespmem:s22], [sflag:$0x1] =	stream.indirect_vreg.gather [hbm4b:s4+s2], $0x80, v4, vm1, $0xb8;
	[tilespmem:$0xC080] =	vst v63  }
0x8d: {  	_ = 	snop  }
0x8e: {  	[tilespmem:s23], [sflag:$0x1] =	stream.indirect_vreg.gather [hbm4b:s3+s2], $0x80, v3, vm0, $0xb8;
	[tilespmem:$0xC080] =	vst v63  }
0x8f: {  	_ = 	snop  }
0x90: {  	[tilespmem:s24], [sflag:$0x1] =	stream.indirect_vreg.gather [hbm4b:s4+s2], $0x80, v3, vm1, $0xb8;
	[tilespmem:$0xC080] =	vst v63  }
0x91: {  	v3 =	vld [tilespmem:$0x70];
	_ =	sdelay $0x4  }
0x92: {  	v63 =	vshrl.u32 v3, $0x3  }
0x93: {  	v4 =	vmul.u32 $0x18, v63  }
0x94: {  	v3 =	vand.u32 $0x7, v3  }
0x95: {  	v3 =	vor.u32 v3, v4  }
0x96: {  	v4 =	vperm.xlane v3, v0;
	_ =	sdelay $0x1  }
0x97: {  	v4 =	vadd.s32 v1, v4;
	_ =	sdelay $0x1  }
0x98: {  	v3 =	vperm.xlane v3, v2;
	_ =	sdelay $0x1  }
0x99: {  	v3 =	vadd.s32 v1, v3  }
0x9a: {  	[tilespmem:s25], [sflag:$0x1] =	stream.indirect_vreg.gather [hbm4b:s3+s2], $0x80, v4, vm0, $0xb8;
	[tilespmem:$0xC080] =	vst v63  }
0x9b: {  	_ = 	snop  }
0x9c: {  	[tilespmem:s26], [sflag:$0x1] =	stream.indirect_vreg.gather [hbm4b:s4+s2], $0x80, v4, vm1, $0xb8;
	[tilespmem:$0xC080] =	vst v63  }
0x9d: {  	_ = 	snop  }
0x9e: {  	[tilespmem:s28], [sflag:$0x1] =	stream.indirect_vreg.gather [hbm4b:s3+s2], $0x80, v3, vm0, $0xb8;
	[tilespmem:$0xC080] =	vst v63  }
0x9f: {  	_ = 	snop  }
0xa0: {  	[tilespmem:s29], [sflag:$0x1] =	stream.indirect_vreg.gather [hbm4b:s4+s2], $0x80, v3, vm1, $0xb8;
	[tilespmem:$0xC080] =	vst v63  }
0xa1: {  	_ =	swait.ge [sflag:s30], $0xC000  }
0xa2: {  	p0 =	sne.s32 s1, $0x70;
	[sflag:s30] =	ssyncset.done $0x0  }
.Ltmp0:
0xa3: {  	[sflag:s30] =	ssyncadd.s32 $0xFFFF4000;
	(pc) =	sbr.rel @p0 .LBB2_2-.Ltmp0, $4  }
0xa4: {  	[hbm4b:s6+s2] =	stream.linear.scatter [tilespmem:s8], [sflag:$0x2], $0xC000, $0x38;
	[tilespmem:$0xC080] =	vst v63  }
0xa5: {  	_ =	swait.ge [sflag:s7], $0xC000  }
0xa6: {  	[sflag:s7] =	ssyncset.done $0x0  }
0xa7: {  	s1 =	sadd.s32 $0x10, s1;
	s6 =	sadd.s32 $0x1800, s6;
	[sflag:s7] =	ssyncadd.s32 $0xFFFF4000  }
0xa8: {  	s31 =	sadd.s32 $0x1, s31;
	s0 =	rddreg [dreg:$0xf]  }
0xa9: {  	p0 =	sne.s32 s31, s0  }
.Ltmp1:
0xaa: {  	_ = 	snop;
	(pc) =	sbr.rel @p0 .LBB2_1-.Ltmp1, $1  }
0xab: {  	_ =	sdelay $0x3  }
0xac: {  	_ =	sfence.sel $0x180000  }
0xad: {  	[bflag:$0x0] =	sbarrier.arrive $0xFFFF  }
0xae: {  	_ =	strace $0x90000050  }
0xaf: {  	s0 =	stileid.u32;
	[bflag:$0x2] =	sbarrier.arrive $0xFFFF  }
0xb0: {  	p0 =	sne.s32 s0, $0x0;
	s0 =	rddreg [dreg:$0x2]  }
0xb1: {  	s0 =	sadd.s32 @!p0 $0x100000, s0  }
0xb2: {  	[sflag:s0] =	ssyncadd.tile.s32 @!p0 $0x1;
	_ =	shalt  }
.Lfunc_end2:
_tile_overlayer_lowered:
.L_overlay_start_2:
0xb3: {  	(tag) =	ssettag $0x2  }
0xb4: {  	s0 =	rddreg [dreg:$0x0];
	s2 =	stileid.u32  }
0xb5: {  	s1 =	rddreg [dreg:$0x1];
	p0 =	sne.s32 s2, $0x0  }
0xb6: {  	s3 =	rddreg [dreg:$0x2];
	[bflag:$0x3] =	sbarrier.arrive $0xFFFF;
	s2 =	simm.s32 @!p0 $0x1C02  }
0xb7: {  	[timem:s3], [sflag:s2] =	dma.local @!p0 [hbm:s0], s1  }
0xb8: {  	s0 =	simm.s32 @!p0 $0x2  }
0xb9: {  	_ =	swait.ge @!p0 [sflag:s0], s1  }
0xba: {  	s1 =	ssub.s32 @!p0 $0x0, s1;
	[sflag:s0] =	ssyncset.done @!p0 $0x0  }
0xbb: {  	[sflag:s0] =	ssyncadd.s32 @!p0 s1  }
0xbc: {  	[bflag:$0x3] =	sbarrier.arrive $0xFFFF  }
0xbd: {  	_ =	shalt  }

</sc_bundles>
